<compile_context>
chip_gen: v7x
topology: tpu7x:2x2x1
jax: 0.10.2.dev20260603
libtpu: 0.0.44.dev20260713+nightly
codegen_flags: <defaults>
</compile_context>

<pallas_src>
import functools

import jax
import jax.numpy as jnp
from jax import lax
from jax.experimental import pallas as pl
from jax.experimental.pallas import tpu as pltpu
from jax.experimental.pallas import tpu_sc as plsc

_N_CLS = 4096
_N_CTX = 4
_D = 512
_CTX_LEN = 77
_N_GATHER = _CTX_LEN - _N_CTX
_IDX_PAD = 80
_NC = 2
_NS = 16
_NW = _NC * _NS
_CPW = _N_CLS // _NW


def _make_prompt_kernel():
    mesh = plsc.VectorSubcoreMesh(core_axis_name="c", subcore_axis_name="s")

    @functools.partial(
        pl.kernel,
        mesh=mesh,
        out_type=jax.ShapeDtypeStruct((_N_CLS, _CTX_LEN, _D), jnp.float32),
        scratch_types=[
            pltpu.VMEM((_CPW, _IDX_PAD), jnp.int32),
            pltpu.VMEM((_N_CTX, _D), jnp.float32),
            pltpu.VMEM((_IDX_PAD, _D), jnp.float32),
            pltpu.VMEM((_IDX_PAD, _D), jnp.float32),
            pltpu.SemaphoreType.DMA,
            pltpu.SemaphoreType.DMA,
        ],
        compiler_params=pltpu.CompilerParams(use_tc_tiling_on_sc=False),
    )
    def prompt_kernel(
        idx_hbm, ctx_hbm, table_hbm, out_hbm, idx_v, ctx_v, buf0, buf1, sem0, sem1
    ):
        wid = lax.axis_index("s") * _NC + lax.axis_index("c")
        base = wid * _CPW
        pltpu.sync_copy(idx_hbm.at[pl.ds(base, _CPW)], idx_v)
        pltpu.sync_copy(ctx_hbm, ctx_v)

        bufs = (buf0, buf1)
        sems = (sem0, sem1)

        def wait_gather(b):
            pltpu.make_async_copy(
                table_hbm.at[pl.ds(0, _IDX_PAD)], bufs[b], sems[b]
            ).wait()

        def start_gather(i, b):
            pltpu.async_copy(table_hbm.at[idx_v.at[i]], bufs[b], sems[b])

        def write_out(i, b):
            c = base + i
            buf = bufs[b]
            pltpu.sync_copy(buf.at[pl.ds(0, 1)], out_hbm.at[c, pl.ds(0, 1)])
            pltpu.sync_copy(ctx_v, out_hbm.at[c, pl.ds(1, _N_CTX)])
            pltpu.sync_copy(
                buf.at[pl.ds(1, _N_GATHER - 1)],
                out_hbm.at[c, pl.ds(1 + _N_CTX, _N_GATHER - 1)],
            )

        start_gather(0, 0)

        def step(g, carry):
            for b in (0, 1):
                i = 2 * g + b
                wait_gather(b)

                @pl.when(i + 1 < _CPW)
                def _():
                    start_gather(i + 1, 1 - b)

                write_out(i, b)
            return carry

        lax.fori_loop(0, _CPW // 2, step, 0)

    return prompt_kernel


_prompt_kernel = _make_prompt_kernel()


def kernel(tokenized_prompts, ctx, token_embedding):
    idx = jnp.pad(
        tokenized_prompts[:, :_N_GATHER], ((0, 0), (0, _IDX_PAD - _N_GATHER))
    )
    prompts = _prompt_kernel(idx, ctx, token_embedding)
    return (prompts, tokenized_prompts)

# --- scband reference (transcript-rebuilt; emitter-appended) ---
"""Pipeline reference for scband-body-part-aware-prompt-learner-29875792511750 (READ-ONLY COPY).

The authoritative reference and input builder live on the scoring server;
editing this copy changes nothing except your own understanding.
"""

import jax, jax.numpy as jnp
import numpy as np

N_CLS = 4096
N_CTX = 4
CTX_DIM = 512
VOCAB = 49408
CTX_LEN = 77

def setup_inputs(seed: int = 0) -> dict:
    key = jax.random.key(seed)
    k1, k2, k3 = jax.random.split(key, 3)
    tokenized_prompts = jax.random.randint(k1, (N_CLS, CTX_LEN), 0, VOCAB, dtype=jnp.int64 if jax.config.jax_enable_x64 else jnp.int32).astype(jnp.int32)
    ctx = jax.random.normal(k2, (N_CTX, CTX_DIM), dtype=jnp.float32) * 0.02
    token_embedding = jax.random.normal(k3, (VOCAB, CTX_DIM), dtype=jnp.float32) * 0.02
    return {"tokenized_prompts": tokenized_prompts, "ctx": ctx, "token_embedding": token_embedding}

def reference(tokenized_prompts, ctx, token_embedding):
    # Embedding lookup: clip_model.token_embedding(tokenized_prompts)
    embedding = jnp.take(token_embedding, tokenized_prompts, axis=0)  # [n_cls, 77, d]
    # token_prefix = embedding[:, :1, :]; token_suffix = embedding[:, 1:-n_ctx, :]
    prefix = embedding[:, :1, :]
    suffix = embedding[:, 1:-N_CTX, :]
    # ctx expanded to all classes (class_token_position == 'end')
    ctx_exp = jnp.broadcast_to(ctx[None, :, :], (tokenized_prompts.shape[0], N_CTX, CTX_DIM))
    prompts = jnp.concatenate([prefix, ctx_exp, suffix], axis=1)  # [n_cls, 77, d]
    return (prompts, tokenized_prompts)

if __name__ == "__main__":
    import jax
    _d = setup_inputs()
    print(jax.jit(kernel)(*tuple(_d.values())))

</pallas_src>

<mosaic_0001>
#map = affine_map<(d0, d1) -> (0, 0)>
#map1 = affine_map<(d0, d1) -> (0, 0, 0)>
module attributes {stable_mosaic.version = 14 : i64} {
  func.func @prompt_kernel(%arg0: i32, %arg1: i32, %arg2: memref<4096x80xi32, #tpu.memory_space<hbm>>, %arg3: memref<4x512xf32, #tpu.memory_space<hbm>>, %arg4: memref<49408x512xf32, #tpu.memory_space<hbm>>, %arg5: memref<4096x77x512xf32, #tpu.memory_space<hbm>>, %arg6: memref<128x80xi32, #tpu.memory_space<vmem>>, %arg7: memref<4x512xf32, #tpu.memory_space<vmem>>, %arg8: memref<80x512xf32, #tpu.memory_space<vmem>>, %arg9: memref<80x512xf32, #tpu.memory_space<vmem>>, %arg10: memref<!tpu.dma_semaphore, #tpu.memory_space<semaphore_mem>>, %arg11: memref<!tpu.dma_semaphore, #tpu.memory_space<semaphore_mem>>) attributes {dimension_semantics = [#tpu.dimension_semantics<core_parallel>, #tpu.dimension_semantics<subcore_parallel>], iteration_bounds = array<i64: 2, 16>, scalar_prefetch = 0 : i64, scratch_operands = 6 : i64, tpu.core_type = #tpu.core_type<sc_vector_subcore>, window_params = [{transform_indices = #map}, {transform_indices = #map}, {transform_indices = #map}, {transform_indices = #map1}]} {
    %mul3A = arith.constant 2 : i32
    %mul3A_0 = arith.muli %arg1, %mul3A : i32
    %add3A = arith.addi %mul3A_0, %arg0 : i32
    %mul3A_1 = arith.constant 128 : i32
    %mul3A_2 = arith.muli %add3A, %mul3A_1 : i32
    "tpu.region"() ({
      %run_scoped3A = tpu.sem_alloc : memref<!tpu.dma_semaphore, #tpu.memory_space<semaphore_mem>>
      %dma_start3A_14 = arith.constant 0 : i32
      %dma_start3A_15 = tpu.memref_slice %arg2[%mul3A_2, %dma_start3A_14] : memref<4096x80xi32, #tpu.memory_space<hbm>> -> memref<128x80xi32, #tpu.memory_space<hbm>>
      %dma_start3A_16 = arith.constant 0 : i32
      %dma_start3A_17 = tpu.memref_slice %arg2[%mul3A_2, %dma_start3A_16] : memref<4096x80xi32, #tpu.memory_space<hbm>> -> memref<128x80xi32, #tpu.memory_space<hbm>>
      tpu.enqueue_dma source(%dma_start3A_17 : memref<128x80xi32, #tpu.memory_space<hbm>>) target(%arg6 : memref<128x80xi32, #tpu.memory_space<vmem>>) target_semaphore(%run_scoped3A : memref<!tpu.dma_semaphore, #tpu.memory_space<semaphore_mem>>)
      %dma_wait3A = arith.constant 0 : i32
      %dma_wait3A_18 = tpu.memref_slice %arg2[%mul3A_2, %dma_wait3A] : memref<4096x80xi32, #tpu.memory_space<hbm>> -> memref<128x80xi32, #tpu.memory_space<hbm>>
      %dma_wait3A_19 = arith.constant 0 : i32
      %dma_wait3A_20 = tpu.memref_slice %arg2[%mul3A_2, %dma_wait3A_19] : memref<4096x80xi32, #tpu.memory_space<hbm>> -> memref<128x80xi32, #tpu.memory_space<hbm>>
      tpu.wait_dma2 semaphore(%run_scoped3A : memref<!tpu.dma_semaphore, #tpu.memory_space<semaphore_mem>>) src(%dma_wait3A_20 : memref<128x80xi32, #tpu.memory_space<hbm>>) dst(%arg6 : memref<128x80xi32, #tpu.memory_space<vmem>>)
      tpu.yield
    }) : () -> ()
    "tpu.region"() ({
      %run_scoped3A = tpu.sem_alloc : memref<!tpu.dma_semaphore, #tpu.memory_space<semaphore_mem>>
      tpu.enqueue_dma source(%arg3 : memref<4x512xf32, #tpu.memory_space<hbm>>) target(%arg7 : memref<4x512xf32, #tpu.memory_space<vmem>>) target_semaphore(%run_scoped3A : memref<!tpu.dma_semaphore, #tpu.memory_space<semaphore_mem>>)
      tpu.wait_dma2 semaphore(%run_scoped3A : memref<!tpu.dma_semaphore, #tpu.memory_space<semaphore_mem>>) src(%arg3 : memref<4x512xf32, #tpu.memory_space<hbm>>) dst(%arg7 : memref<4x512xf32, #tpu.memory_space<vmem>>)
      tpu.yield
    }) : () -> ()
    %dma_start3A = arith.constant 0 : i32
    %dma_start3A_3 = arith.constant 0 : i32
    %dma_start3A_4 = tpu.memref_slice %arg6[%dma_start3A, %dma_start3A_3] : memref<128x80xi32, #tpu.memory_space<vmem>> -> memref<1x80xi32, #tpu.memory_space<vmem>>
    %dma_start3A_5 = tpu.memref_squeeze %dma_start3A_4 : memref<1x80xi32, #tpu.memory_space<vmem>> -> memref<80xi32, #tpu.memory_space<vmem>>
    %dma_start3A_6 = arith.constant 0 : i32
    %dma_start3A_7 = arith.constant 0 : i32
    %dma_start3A_8 = tpu.memref_slice %arg4[%dma_start3A_6, %dma_start3A_7] : memref<49408x512xf32, #tpu.memory_space<hbm>> -> memref<49408x512xf32, #tpu.memory_space<hbm>>
    tpu.enqueue_indirect_dma source(%dma_start3A_8 : memref<49408x512xf32, #tpu.memory_space<hbm>>) target(%arg8 : memref<80x512xf32, #tpu.memory_space<vmem>>) offsets(%dma_start3A_5 : memref<80xi32, #tpu.memory_space<vmem>>) semaphore(%arg10 : memref<!tpu.dma_semaphore, #tpu.memory_space<semaphore_mem>>)
    %scan3A = arith.constant 0 : i32
    %scan3A_9 = arith.constant 0 : i32
    %scan3A_10 = arith.constant 64 : i32
    %scan3A_11 = arith.addi %scan3A_9, %scan3A_10 : i32
    %scan3A_12 = arith.constant 1 : i32
    scf.for %scan3A_14 = %scan3A_9 to %scan3A_11 step %scan3A_12  : i32 {
      %mul3A_15 = arith.constant 2 : i32
      %mul3A_16 = arith.muli %mul3A_15, %scan3A_14 : i32
      %add3A_17 = arith.constant 0 : i32
      %add3A_18 = arith.addi %mul3A_16, %add3A_17 : i32
      %dma_wait3A = arith.constant 0 : i32
      %dma_wait3A_19 = arith.constant 0 : i32
      %dma_wait3A_20 = tpu.memref_slice %arg4[%dma_wait3A, %dma_wait3A_19] : memref<49408x512xf32, #tpu.memory_space<hbm>> -> memref<80x512xf32, #tpu.memory_space<hbm>>
      %dma_wait3A_21 = arith.constant 0 : i32
      %dma_wait3A_22 = arith.constant 0 : i32
      %dma_wait3A_23 = tpu.memref_slice %arg4[%dma_wait3A_21, %dma_wait3A_22] : memref<49408x512xf32, #tpu.memory_space<hbm>> -> memref<80x512xf32, #tpu.memory_space<hbm>>
      tpu.wait_dma2 semaphore(%arg10 : memref<!tpu.dma_semaphore, #tpu.memory_space<semaphore_mem>>) src(%dma_wait3A_23 : memref<80x512xf32, #tpu.memory_space<hbm>>) dst(%arg8 : memref<80x512xf32, #tpu.memory_space<vmem>>)
      %add3A_24 = arith.constant 1 : i32
      %add3A_25 = arith.addi %add3A_18, %add3A_24 : i32
      %lt3A = arith.constant 128 : i32
      %lt3A_26 = arith.cmpi slt, %add3A_25, %lt3A : i32
      %convert_element_type3A = arith.extui %lt3A_26 : i1 to i32
      %cond3A = arith.constant 0 : i32
      %cond3A_27 = arith.cmpi ne, %convert_element_type3A, %cond3A : i32
      scf.if %cond3A_27 {
        %add3A_47 = arith.constant 1 : i32
        %add3A_48 = arith.addi %add3A_18, %add3A_47 : i32
        %dma_start3A_49 = arith.constant 0 : i32
        %dma_start3A_50 = tpu.memref_slice %arg6[%add3A_48, %dma_start3A_49] : memref<128x80xi32, #tpu.memory_space<vmem>> -> memref<1x80xi32, #tpu.memory_space<vmem>>
        %dma_start3A_51 = tpu.memref_squeeze %dma_start3A_50 : memref<1x80xi32, #tpu.memory_space<vmem>> -> memref<80xi32, #tpu.memory_space<vmem>>
        %dma_start3A_52 = arith.constant 0 : i32
        %dma_start3A_53 = arith.constant 0 : i32
        %dma_start3A_54 = tpu.memref_slice %arg4[%dma_start3A_52, %dma_start3A_53] : memref<49408x512xf32, #tpu.memory_space<hbm>> -> memref<49408x512xf32, #tpu.memory_space<hbm>>
        tpu.enqueue_indirect_dma source(%dma_start3A_54 : memref<49408x512xf32, #tpu.memory_space<hbm>>) target(%arg9 : memref<80x512xf32, #tpu.memory_space<vmem>>) offsets(%dma_start3A_51 : memref<80xi32, #tpu.memory_space<vmem>>) semaphore(%arg11 : memref<!tpu.dma_semaphore, #tpu.memory_space<semaphore_mem>>)
      } else {
      }
      %add3A_28 = arith.addi %mul3A_2, %add3A_18 : i32
      "tpu.region"() ({
        %run_scoped3A = tpu.sem_alloc : memref<!tpu.dma_semaphore, #tpu.memory_space<semaphore_mem>>
        %dma_start3A_47 = arith.constant 0 : i32
        %dma_start3A_48 = arith.constant 0 : i32
        %dma_start3A_49 = tpu.memref_slice %arg8[%dma_start3A_47, %dma_start3A_48] : memref<80x512xf32, #tpu.memory_space<vmem>> -> memref<1x512xf32, #tpu.memory_space<vmem>>
        %dma_start3A_50 = arith.constant 0 : i32
        %dma_start3A_51 = arith.constant 0 : i32
        %dma_start3A_52 = tpu.memref_slice %arg5[%add3A_28, %dma_start3A_50, %dma_start3A_51] : memref<4096x77x512xf32, #tpu.memory_space<hbm>> -> memref<1x1x512xf32, #tpu.memory_space<hbm>>
        %dma_start3A_53 = tpu.memref_squeeze %dma_start3A_52 : memref<1x1x512xf32, #tpu.memory_space<hbm>> -> memref<1x512xf32, #tpu.memory_space<hbm>>
        %dma_start3A_54 = arith.constant 0 : i32
        %dma_start3A_55 = arith.constant 0 : i32
        %dma_start3A_56 = tpu.memref_slice %arg5[%add3A_28, %dma_start3A_54, %dma_start3A_55] : memref<4096x77x512xf32, #tpu.memory_space<hbm>> -> memref<1x1x512xf32, #tpu.memory_space<hbm>>
        %dma_start3A_57 = tpu.memref_squeeze %dma_start3A_56 : memref<1x1x512xf32, #tpu.memory_space<hbm>> -> memref<1x512xf32, #tpu.memory_space<hbm>>
        %dma_start3A_58 = arith.constant 0 : i32
        %dma_start3A_59 = arith.constant 0 : i32
        %dma_start3A_60 = tpu.memref_slice %arg8[%dma_start3A_58, %dma_start3A_59] : memref<80x512xf32, #tpu.memory_space<vmem>> -> memref<1x512xf32, #tpu.memory_space<vmem>>
        tpu.enqueue_dma source(%dma_start3A_60 : memref<1x512xf32, #tpu.memory_space<vmem>>) target(%dma_start3A_57 : memref<1x512xf32, #tpu.memory_space<hbm>>) target_semaphore(%run_scoped3A : memref<!tpu.dma_semaphore, #tpu.memory_space<semaphore_mem>>)
        %dma_wait3A_61 = arith.constant 0 : i32
        %dma_wait3A_62 = arith.constant 0 : i32
        %dma_wait3A_63 = tpu.memref_slice %arg8[%dma_wait3A_61, %dma_wait3A_62] : memref<80x512xf32, #tpu.memory_space<vmem>> -> memref<1x512xf32, #tpu.memory_space<vmem>>
        %dma_wait3A_64 = arith.constant 0 : i32
        %dma_wait3A_65 = arith.constant 0 : i32
        %dma_wait3A_66 = tpu.memref_slice %arg5[%add3A_28, %dma_wait3A_64, %dma_wait3A_65] : memref<4096x77x512xf32, #tpu.memory_space<hbm>> -> memref<1x1x512xf32, #tpu.memory_space<hbm>>
        %dma_wait3A_67 = tpu.memref_squeeze %dma_wait3A_66 : memref<1x1x512xf32, #tpu.memory_space<hbm>> -> memref<1x512xf32, #tpu.memory_space<hbm>>
        %dma_wait3A_68 = arith.constant 0 : i32
        %dma_wait3A_69 = arith.constant 0 : i32
        %dma_wait3A_70 = tpu.memref_slice %arg5[%add3A_28, %dma_wait3A_68, %dma_wait3A_69] : memref<4096x77x512xf32, #tpu.memory_space<hbm>> -> memref<1x1x512xf32, #tpu.memory_space<hbm>>
        %dma_wait3A_71 = tpu.memref_squeeze %dma_wait3A_70 : memref<1x1x512xf32, #tpu.memory_space<hbm>> -> memref<1x512xf32, #tpu.memory_space<hbm>>
        %dma_wait3A_72 = arith.constant 0 : i32
        %dma_wait3A_73 = arith.constant 0 : i32
        %dma_wait3A_74 = tpu.memref_slice %arg8[%dma_wait3A_72, %dma_wait3A_73] : memref<80x512xf32, #tpu.memory_space<vmem>> -> memref<1x512xf32, #tpu.memory_space<vmem>>
        tpu.wait_dma2 semaphore(%run_scoped3A : memref<!tpu.dma_semaphore, #tpu.memory_space<semaphore_mem>>) src(%dma_wait3A_74 : memref<1x512xf32, #tpu.memory_space<vmem>>) dst(%dma_wait3A_71 : memref<1x512xf32, #tpu.memory_space<hbm>>)
        tpu.yield
      }) : () -> ()
      "tpu.region"() ({
        %run_scoped3A = tpu.sem_alloc : memref<!tpu.dma_semaphore, #tpu.memory_space<semaphore_mem>>
        %dma_start3A_47 = arith.constant 1 : i32
        %dma_start3A_48 = arith.constant 0 : i32
        %dma_start3A_49 = tpu.memref_slice %arg5[%add3A_28, %dma_start3A_47, %dma_start3A_48] : memref<4096x77x512xf32, #tpu.memory_space<hbm>> -> memref<1x4x512xf32, #tpu.memory_space<hbm>>
        %dma_start3A_50 = tpu.memref_squeeze %dma_start3A_49 : memref<1x4x512xf32, #tpu.memory_space<hbm>> -> memref<4x512xf32, #tpu.memory_space<hbm>>
        %dma_start3A_51 = arith.constant 1 : i32
        %dma_start3A_52 = arith.constant 0 : i32
        %dma_start3A_53 = tpu.memref_slice %arg5[%add3A_28, %dma_start3A_51, %dma_start3A_52] : memref<4096x77x512xf32, #tpu.memory_space<hbm>> -> memref<1x4x512xf32, #tpu.memory_space<hbm>>
        %dma_start3A_54 = tpu.memref_squeeze %dma_start3A_53 : memref<1x4x512xf32, #tpu.memory_space<hbm>> -> memref<4x512xf32, #tpu.memory_space<hbm>>
        tpu.enqueue_dma source(%arg7 : memref<4x512xf32, #tpu.memory_space<vmem>>) target(%dma_start3A_54 : memref<4x512xf32, #tpu.memory_space<hbm>>) target_semaphore(%run_scoped3A : memref<!tpu.dma_semaphore, #tpu.memory_space<semaphore_mem>>)
        %dma_wait3A_55 = arith.constant 1 : i32
        %dma_wait3A_56 = arith.constant 0 : i32
        %dma_wait3A_57 = tpu.memref_slice %arg5[%add3A_28, %dma_wait3A_55, %dma_wait3A_56] : memref<4096x77x512xf32, #tpu.memory_space<hbm>> -> memref<1x4x512xf32, #tpu.memory_space<hbm>>
        %dma_wait3A_58 = tpu.memref_squeeze %dma_wait3A_57 : memref<1x4x512xf32, #tpu.memory_space<hbm>> -> memref<4x512xf32, #tpu.memory_space<hbm>>
        %dma_wait3A_59 = arith.constant 1 : i32
        %dma_wait3A_60 = arith.constant 0 : i32
        %dma_wait3A_61 = tpu.memref_slice %arg5[%add3A_28, %dma_wait3A_59, %dma_wait3A_60] : memref<4096x77x512xf32, #tpu.memory_space<hbm>> -> memref<1x4x512xf32, #tpu.memory_space<hbm>>
        %dma_wait3A_62 = tpu.memref_squeeze %dma_wait3A_61 : memref<1x4x512xf32, #tpu.memory_space<hbm>> -> memref<4x512xf32, #tpu.memory_space<hbm>>
        tpu.wait_dma2 semaphore(%run_scoped3A : memref<!tpu.dma_semaphore, #tpu.memory_space<semaphore_mem>>) src(%arg7 : memref<4x512xf32, #tpu.memory_space<vmem>>) dst(%dma_wait3A_62 : memref<4x512xf32, #tpu.memory_space<hbm>>)
        tpu.yield
      }) : () -> ()
      "tpu.region"() ({
        %run_scoped3A = tpu.sem_alloc : memref<!tpu.dma_semaphore, #tpu.memory_space<semaphore_mem>>
        %dma_start3A_47 = arith.constant 1 : i32
        %dma_start3A_48 = arith.constant 0 : i32
        %dma_start3A_49 = tpu.memref_slice %arg8[%dma_start3A_47, %dma_start3A_48] : memref<80x512xf32, #tpu.memory_space<vmem>> -> memref<72x512xf32, #tpu.memory_space<vmem>>
        %dma_start3A_50 = arith.constant 5 : i32
        %dma_start3A_51 = arith.constant 0 : i32
        %dma_start3A_52 = tpu.memref_slice %arg5[%add3A_28, %dma_start3A_50, %dma_start3A_51] : memref<4096x77x512xf32, #tpu.memory_space<hbm>> -> memref<1x72x512xf32, #tpu.memory_space<hbm>>
        %dma_start3A_53 = tpu.memref_squeeze %dma_start3A_52 : memref<1x72x512xf32, #tpu.memory_space<hbm>> -> memref<72x512xf32, #tpu.memory_space<hbm>>
        %dma_start3A_54 = arith.constant 5 : i32
        %dma_start3A_55 = arith.constant 0 : i32
        %dma_start3A_56 = tpu.memref_slice %arg5[%add3A_28, %dma_start3A_54, %dma_start3A_55] : memref<4096x77x512xf32, #tpu.memory_space<hbm>> -> memref<1x72x512xf32, #tpu.memory_space<hbm>>
        %dma_start3A_57 = tpu.memref_squeeze %dma_start3A_56 : memref<1x72x512xf32, #tpu.memory_space<hbm>> -> memref<72x512xf32, #tpu.memory_space<hbm>>
        %dma_start3A_58 = arith.constant 1 : i32
        %dma_start3A_59 = arith.constant 0 : i32
        %dma_start3A_60 = tpu.memref_slice %arg8[%dma_start3A_58, %dma_start3A_59] : memref<80x512xf32, #tpu.memory_space<vmem>> -> memref<72x512xf32, #tpu.memory_space<vmem>>
        tpu.enqueue_dma source(%dma_start3A_60 : memref<72x512xf32, #tpu.memory_space<vmem>>) target(%dma_start3A_57 : memref<72x512xf32, #tpu.memory_space<hbm>>) target_semaphore(%run_scoped3A : memref<!tpu.dma_semaphore, #tpu.memory_space<semaphore_mem>>)
        %dma_wait3A_61 = arith.constant 1 : i32
        %dma_wait3A_62 = arith.constant 0 : i32
        %dma_wait3A_63 = tpu.memref_slice %arg8[%dma_wait3A_61, %dma_wait3A_62] : memref<80x512xf32, #tpu.memory_space<vmem>> -> memref<72x512xf32, #tpu.memory_space<vmem>>
        %dma_wait3A_64 = arith.constant 5 : i32
        %dma_wait3A_65 = arith.constant 0 : i32
        %dma_wait3A_66 = tpu.memref_slice %arg5[%add3A_28, %dma_wait3A_64, %dma_wait3A_65] : memref<4096x77x512xf32, #tpu.memory_space<hbm>> -> memref<1x72x512xf32, #tpu.memory_space<hbm>>
        %dma_wait3A_67 = tpu.memref_squeeze %dma_wait3A_66 : memref<1x72x512xf32, #tpu.memory_space<hbm>> -> memref<72x512xf32, #tpu.memory_space<hbm>>
        %dma_wait3A_68 = arith.constant 5 : i32
        %dma_wait3A_69 = arith.constant 0 : i32
        %dma_wait3A_70 = tpu.memref_slice %arg5[%add3A_28, %dma_wait3A_68, %dma_wait3A_69] : memref<4096x77x512xf32, #tpu.memory_space<hbm>> -> memref<1x72x512xf32, #tpu.memory_space<hbm>>
        %dma_wait3A_71 = tpu.memref_squeeze %dma_wait3A_70 : memref<1x72x512xf32, #tpu.memory_space<hbm>> -> memref<72x512xf32, #tpu.memory_space<hbm>>
        %dma_wait3A_72 = arith.constant 1 : i32
        %dma_wait3A_73 = arith.constant 0 : i32
        %dma_wait3A_74 = tpu.memref_slice %arg8[%dma_wait3A_72, %dma_wait3A_73] : memref<80x512xf32, #tpu.memory_space<vmem>> -> memref<72x512xf32, #tpu.memory_space<vmem>>
        tpu.wait_dma2 semaphore(%run_scoped3A : memref<!tpu.dma_semaphore, #tpu.memory_space<semaphore_mem>>) src(%dma_wait3A_74 : memref<72x512xf32, #tpu.memory_space<vmem>>) dst(%dma_wait3A_71 : memref<72x512xf32, #tpu.memory_space<hbm>>)
        tpu.yield
      }) : () -> ()
      %mul3A_29 = arith.constant 2 : i32
      %mul3A_30 = arith.muli %mul3A_29, %scan3A_14 : i32
      %add3A_31 = arith.constant 1 : i32
      %add3A_32 = arith.addi %mul3A_30, %add3A_31 : i32
      %dma_wait3A_33 = arith.constant 0 : i32
      %dma_wait3A_34 = arith.constant 0 : i32
      %dma_wait3A_35 = tpu.memref_slice %arg4[%dma_wait3A_33, %dma_wait3A_34] : memref<49408x512xf32, #tpu.memory_space<hbm>> -> memref<80x512xf32, #tpu.memory_space<hbm>>
      %dma_wait3A_36 = arith.constant 0 : i32
      %dma_wait3A_37 = arith.constant 0 : i32
      %dma_wait3A_38 = tpu.memref_slice %arg4[%dma_wait3A_36, %dma_wait3A_37] : memref<49408x512xf32, #tpu.memory_space<hbm>> -> memref<80x512xf32, #tpu.memory_space<hbm>>
      tpu.wait_dma2 semaphore(%arg11 : memref<!tpu.dma_semaphore, #tpu.memory_space<semaphore_mem>>) src(%dma_wait3A_38 : memref<80x512xf32, #tpu.memory_space<hbm>>) dst(%arg9 : memref<80x512xf32, #tpu.memory_space<vmem>>)
      %add3A_39 = arith.constant 1 : i32
      %add3A_40 = arith.addi %add3A_32, %add3A_39 : i32
      %lt3A_41 = arith.constant 128 : i32
      %lt3A_42 = arith.cmpi slt, %add3A_40, %lt3A_41 : i32
      %convert_element_type3A_43 = arith.extui %lt3A_42 : i1 to i32
      %cond3A_44 = arith.constant 0 : i32
      %cond3A_45 = arith.cmpi ne, %convert_element_type3A_43, %cond3A_44 : i32
      scf.if %cond3A_45 {
        %add3A_47 = arith.constant 1 : i32
        %add3A_48 = arith.addi %add3A_32, %add3A_47 : i32
        %dma_start3A_49 = arith.constant 0 : i32
        %dma_start3A_50 = tpu.memref_slice %arg6[%add3A_48, %dma_start3A_49] : memref<128x80xi32, #tpu.memory_space<vmem>> -> memref<1x80xi32, #tpu.memory_space<vmem>>
        %dma_start3A_51 = tpu.memref_squeeze %dma_start3A_50 : memref<1x80xi32, #tpu.memory_space<vmem>> -> memref<80xi32, #tpu.memory_space<vmem>>
        %dma_start3A_52 = arith.constant 0 : i32
        %dma_start3A_53 = arith.constant 0 : i32
        %dma_start3A_54 = tpu.memref_slice %arg4[%dma_start3A_52, %dma_start3A_53] : memref<49408x512xf32, #tpu.memory_space<hbm>> -> memref<49408x512xf32, #tpu.memory_space<hbm>>
        tpu.enqueue_indirect_dma source(%dma_start3A_54 : memref<49408x512xf32, #tpu.memory_space<hbm>>) target(%arg8 : memref<80x512xf32, #tpu.memory_space<vmem>>) offsets(%dma_start3A_51 : memref<80xi32, #tpu.memory_space<vmem>>) semaphore(%arg10 : memref<!tpu.dma_semaphore, #tpu.memory_space<semaphore_mem>>)
      } else {
      }
      %add3A_46 = arith.addi %mul3A_2, %add3A_32 : i32
      "tpu.region"() ({
        %run_scoped3A = tpu.sem_alloc : memref<!tpu.dma_semaphore, #tpu.memory_space<semaphore_mem>>
        %dma_start3A_47 = arith.constant 0 : i32
        %dma_start3A_48 = arith.constant 0 : i32
        %dma_start3A_49 = tpu.memref_slice %arg9[%dma_start3A_47, %dma_start3A_48] : memref<80x512xf32, #tpu.memory_space<vmem>> -> memref<1x512xf32, #tpu.memory_space<vmem>>
        %dma_start3A_50 = arith.constant 0 : i32
        %dma_start3A_51 = arith.constant 0 : i32
        %dma_start3A_52 = tpu.memref_slice %arg5[%add3A_46, %dma_start3A_50, %dma_start3A_51] : memref<4096x77x512xf32, #tpu.memory_space<hbm>> -> memref<1x1x512xf32, #tpu.memory_space<hbm>>
        %dma_start3A_53 = tpu.memref_squeeze %dma_start3A_52 : memref<1x1x512xf32, #tpu.memory_space<hbm>> -> memref<1x512xf32, #tpu.memory_space<hbm>>
        %dma_start3A_54 = arith.constant 0 : i32
        %dma_start3A_55 = arith.constant 0 : i32
        %dma_start3A_56 = tpu.memref_slice %arg5[%add3A_46, %dma_start3A_54, %dma_start3A_55] : memref<4096x77x512xf32, #tpu.memory_space<hbm>> -> memref<1x1x512xf32, #tpu.memory_space<hbm>>
        %dma_start3A_57 = tpu.memref_squeeze %dma_start3A_56 : memref<1x1x512xf32, #tpu.memory_space<hbm>> -> memref<1x512xf32, #tpu.memory_space<hbm>>
        %dma_start3A_58 = arith.constant 0 : i32
        %dma_start3A_59 = arith.constant 0 : i32
        %dma_start3A_60 = tpu.memref_slice %arg9[%dma_start3A_58, %dma_start3A_59] : memref<80x512xf32, #tpu.memory_space<vmem>> -> memref<1x512xf32, #tpu.memory_space<vmem>>
        tpu.enqueue_dma source(%dma_start3A_60 : memref<1x512xf32, #tpu.memory_space<vmem>>) target(%dma_start3A_57 : memref<1x512xf32, #tpu.memory_space<hbm>>) target_semaphore(%run_scoped3A : memref<!tpu.dma_semaphore, #tpu.memory_space<semaphore_mem>>)
        %dma_wait3A_61 = arith.constant 0 : i32
        %dma_wait3A_62 = arith.constant 0 : i32
        %dma_wait3A_63 = tpu.memref_slice %arg9[%dma_wait3A_61, %dma_wait3A_62] : memref<80x512xf32, #tpu.memory_space<vmem>> -> memref<1x512xf32, #tpu.memory_space<vmem>>
        %dma_wait3A_64 = arith.constant 0 : i32
        %dma_wait3A_65 = arith.constant 0 : i32
        %dma_wait3A_66 = tpu.memref_slice %arg5[%add3A_46, %dma_wait3A_64, %dma_wait3A_65] : memref<4096x77x512xf32, #tpu.memory_space<hbm>> -> memref<1x1x512xf32, #tpu.memory_space<hbm>>
        %dma_wait3A_67 = tpu.memref_squeeze %dma_wait3A_66 : memref<1x1x512xf32, #tpu.memory_space<hbm>> -> memref<1x512xf32, #tpu.memory_space<hbm>>
        %dma_wait3A_68 = arith.constant 0 : i32
        %dma_wait3A_69 = arith.constant 0 : i32
        %dma_wait3A_70 = tpu.memref_slice %arg5[%add3A_46, %dma_wait3A_68, %dma_wait3A_69] : memref<4096x77x512xf32, #tpu.memory_space<hbm>> -> memref<1x1x512xf32, #tpu.memory_space<hbm>>
        %dma_wait3A_71 = tpu.memref_squeeze %dma_wait3A_70 : memref<1x1x512xf32, #tpu.memory_space<hbm>> -> memref<1x512xf32, #tpu.memory_space<hbm>>
        %dma_wait3A_72 = arith.constant 0 : i32
        %dma_wait3A_73 = arith.constant 0 : i32
        %dma_wait3A_74 = tpu.memref_slice %arg9[%dma_wait3A_72, %dma_wait3A_73] : memref<80x512xf32, #tpu.memory_space<vmem>> -> memref<1x512xf32, #tpu.memory_space<vmem>>
        tpu.wait_dma2 semaphore(%run_scoped3A : memref<!tpu.dma_semaphore, #tpu.memory_space<semaphore_mem>>) src(%dma_wait3A_74 : memref<1x512xf32, #tpu.memory_space<vmem>>) dst(%dma_wait3A_71 : memref<1x512xf32, #tpu.memory_space<hbm>>)
        tpu.yield
      }) : () -> ()
      "tpu.region"() ({
        %run_scoped3A = tpu.sem_alloc : memref<!tpu.dma_semaphore, #tpu.memory_space<semaphore_mem>>
        %dma_start3A_47 = arith.constant 1 : i32
        %dma_start3A_48 = arith.constant 0 : i32
        %dma_start3A_49 = tpu.memref_slice %arg5[%add3A_46, %dma_start3A_47, %dma_start3A_48] : memref<4096x77x512xf32, #tpu.memory_space<hbm>> -> memref<1x4x512xf32, #tpu.memory_space<hbm>>
        %dma_start3A_50 = tpu.memref_squeeze %dma_start3A_49 : memref<1x4x512xf32, #tpu.memory_space<hbm>> -> memref<4x512xf32, #tpu.memory_space<hbm>>
        %dma_start3A_51 = arith.constant 1 : i32
        %dma_start3A_52 = arith.constant 0 : i32
        %dma_start3A_53 = tpu.memref_slice %arg5[%add3A_46, %dma_start3A_51, %dma_start3A_52] : memref<4096x77x512xf32, #tpu.memory_space<hbm>> -> memref<1x4x512xf32, #tpu.memory_space<hbm>>
        %dma_start3A_54 = tpu.memref_squeeze %dma_start3A_53 : memref<1x4x512xf32, #tpu.memory_space<hbm>> -> memref<4x512xf32, #tpu.memory_space<hbm>>
        tpu.enqueue_dma source(%arg7 : memref<4x512xf32, #tpu.memory_space<vmem>>) target(%dma_start3A_54 : memref<4x512xf32, #tpu.memory_space<hbm>>) target_semaphore(%run_scoped3A : memref<!tpu.dma_semaphore, #tpu.memory_space<semaphore_mem>>)
        %dma_wait3A_55 = arith.constant 1 : i32
        %dma_wait3A_56 = arith.constant 0 : i32
        %dma_wait3A_57 = tpu.memref_slice %arg5[%add3A_46, %dma_wait3A_55, %dma_wait3A_56] : memref<4096x77x512xf32, #tpu.memory_space<hbm>> -> memref<1x4x512xf32, #tpu.memory_space<hbm>>
        %dma_wait3A_58 = tpu.memref_squeeze %dma_wait3A_57 : memref<1x4x512xf32, #tpu.memory_space<hbm>> -> memref<4x512xf32, #tpu.memory_space<hbm>>
        %dma_wait3A_59 = arith.constant 1 : i32
        %dma_wait3A_60 = arith.constant 0 : i32
        %dma_wait3A_61 = tpu.memref_slice %arg5[%add3A_46, %dma_wait3A_59, %dma_wait3A_60] : memref<4096x77x512xf32, #tpu.memory_space<hbm>> -> memref<1x4x512xf32, #tpu.memory_space<hbm>>
        %dma_wait3A_62 = tpu.memref_squeeze %dma_wait3A_61 : memref<1x4x512xf32, #tpu.memory_space<hbm>> -> memref<4x512xf32, #tpu.memory_space<hbm>>
        tpu.wait_dma2 semaphore(%run_scoped3A : memref<!tpu.dma_semaphore, #tpu.memory_space<semaphore_mem>>) src(%arg7 : memref<4x512xf32, #tpu.memory_space<vmem>>) dst(%dma_wait3A_62 : memref<4x512xf32, #tpu.memory_space<hbm>>)
        tpu.yield
      }) : () -> ()
      "tpu.region"() ({
        %run_scoped3A = tpu.sem_alloc : memref<!tpu.dma_semaphore, #tpu.memory_space<semaphore_mem>>
        %dma_start3A_47 = arith.constant 1 : i32
        %dma_start3A_48 = arith.constant 0 : i32
        %dma_start3A_49 = tpu.memref_slice %arg9[%dma_start3A_47, %dma_start3A_48] : memref<80x512xf32, #tpu.memory_space<vmem>> -> memref<72x512xf32, #tpu.memory_space<vmem>>
        %dma_start3A_50 = arith.constant 5 : i32
        %dma_start3A_51 = arith.constant 0 : i32
        %dma_start3A_52 = tpu.memref_slice %arg5[%add3A_46, %dma_start3A_50, %dma_start3A_51] : memref<4096x77x512xf32, #tpu.memory_space<hbm>> -> memref<1x72x512xf32, #tpu.memory_space<hbm>>
        %dma_start3A_53 = tpu.memref_squeeze %dma_start3A_52 : memref<1x72x512xf32, #tpu.memory_space<hbm>> -> memref<72x512xf32, #tpu.memory_space<hbm>>
        %dma_start3A_54 = arith.constant 5 : i32
        %dma_start3A_55 = arith.constant 0 : i32
        %dma_start3A_56 = tpu.memref_slice %arg5[%add3A_46, %dma_start3A_54, %dma_start3A_55] : memref<4096x77x512xf32, #tpu.memory_space<hbm>> -> memref<1x72x512xf32, #tpu.memory_space<hbm>>
        %dma_start3A_57 = tpu.memref_squeeze %dma_start3A_56 : memref<1x72x512xf32, #tpu.memory_space<hbm>> -> memref<72x512xf32, #tpu.memory_space<hbm>>
        %dma_start3A_58 = arith.constant 1 : i32
        %dma_start3A_59 = arith.constant 0 : i32
        %dma_start3A_60 = tpu.memref_slice %arg9[%dma_start3A_58, %dma_start3A_59] : memref<80x512xf32, #tpu.memory_space<vmem>> -> memref<72x512xf32, #tpu.memory_space<vmem>>
        tpu.enqueue_dma source(%dma_start3A_60 : memref<72x512xf32, #tpu.memory_space<vmem>>) target(%dma_start3A_57 : memref<72x512xf32, #tpu.memory_space<hbm>>) target_semaphore(%run_scoped3A : memref<!tpu.dma_semaphore, #tpu.memory_space<semaphore_mem>>)
        %dma_wait3A_61 = arith.constant 1 : i32
        %dma_wait3A_62 = arith.constant 0 : i32
        %dma_wait3A_63 = tpu.memref_slice %arg9[%dma_wait3A_61, %dma_wait3A_62] : memref<80x512xf32, #tpu.memory_space<vmem>> -> memref<72x512xf32, #tpu.memory_space<vmem>>
        %dma_wait3A_64 = arith.constant 5 : i32
        %dma_wait3A_65 = arith.constant 0 : i32
        %dma_wait3A_66 = tpu.memref_slice %arg5[%add3A_46, %dma_wait3A_64, %dma_wait3A_65] : memref<4096x77x512xf32, #tpu.memory_space<hbm>> -> memref<1x72x512xf32, #tpu.memory_space<hbm>>
        %dma_wait3A_67 = tpu.memref_squeeze %dma_wait3A_66 : memref<1x72x512xf32, #tpu.memory_space<hbm>> -> memref<72x512xf32, #tpu.memory_space<hbm>>
        %dma_wait3A_68 = arith.constant 5 : i32
        %dma_wait3A_69 = arith.constant 0 : i32
        %dma_wait3A_70 = tpu.memref_slice %arg5[%add3A_46, %dma_wait3A_68, %dma_wait3A_69] : memref<4096x77x512xf32, #tpu.memory_space<hbm>> -> memref<1x72x512xf32, #tpu.memory_space<hbm>>
        %dma_wait3A_71 = tpu.memref_squeeze %dma_wait3A_70 : memref<1x72x512xf32, #tpu.memory_space<hbm>> -> memref<72x512xf32, #tpu.memory_space<hbm>>
        %dma_wait3A_72 = arith.constant 1 : i32
        %dma_wait3A_73 = arith.constant 0 : i32
        %dma_wait3A_74 = tpu.memref_slice %arg9[%dma_wait3A_72, %dma_wait3A_73] : memref<80x512xf32, #tpu.memory_space<vmem>> -> memref<72x512xf32, #tpu.memory_space<vmem>>
        tpu.wait_dma2 semaphore(%run_scoped3A : memref<!tpu.dma_semaphore, #tpu.memory_space<semaphore_mem>>) src(%dma_wait3A_74 : memref<72x512xf32, #tpu.memory_space<vmem>>) dst(%dma_wait3A_71 : memref<72x512xf32, #tpu.memory_space<hbm>>)
        tpu.yield
      }) : () -> ()
    }
    %scan3A_13 = arith.constant 64 : i32
    return
  }
}

</mosaic_0001>

<sc_bundles>
// kernel: kernel.3.cloned.1.call-start
scs
__scs_entry_jumppad:
0x0: {  	(pc) =	sbr.rel $0x88, $3  }
0x1: {  	(tag) =	ssettag $0x0;
	lr =	simm.s32 $0x1  }
0x2: {  	[smem:$0x3F9E] =	sst lr;
	_ =	strace $0xD0000000  }
0x3: {  	_ = 	snop  }
0x4: {  	_ = 	snop  }
0x5: {  	_ = 	snop  }
0x6: {  	_ = 	snop  }
0x7: {  	_ = 	snop  }
__scs_overlays_trampoline_lowered:
0x8: {  	[smem:$0x3FAD] =	sst s0  }
0x9: {  	[smem:$0x3FAE] =	sst s1  }
0xa: {  	[smem:$0x3FAF] =	sst s2  }
0xb: {  	[smem:$0x3FB0] =	sst s3  }
0xc: {  	[smem:$0x3FB1] =	sst s4  }
0xd: {  	[smem:$0x3FB2] =	sst s5  }
0xe: {  	[smem:$0x3FB3] =	sst s6  }
0xf: {  	[smem:$0x3FB4] =	sst s7  }
0x10: {  	[smem:$0x3FB5] =	sst s8  }
0x11: {  	[smem:$0x3FB6] =	sst s9;
	s0 =	simm.s32 @!p0 $0x0  }
0x12: {  	s1 =	sld [smem:$0x3F9C];
	s0 =	simm.s32 @p0 $0x1  }
0x13: {  	[smem:$0x3FB7] =	sst s0;
	s0 =	simm.s32 @!p1 $0x0  }
0x14: {  	s2 =	sld [smem:$0x3F9B];
	s0 =	simm.s32 @p1 $0x1  }
0x15: {  	[smem:$0x3FB8] =	sst s0;
	s0 =	simm.s32 @!p2 $0x0  }
0x16: {  	s3 =	sld [smem:$0x3FDB];
	s0 =	simm.s32 @p2 $0x1  }
0x17: {  	s4 =	simm.s32 $0x1BF5;
	[smem:$0x3FBA] =	sst s0  }
0x18: {  	s0 =	sld [smem:$0x3F9D];
	_ =	swait.ge [sflag:s4], $0x0  }
0x19: {  	s7 =	sld [smem:$0x3F9E]  }
0x1a: {  	s8 =	sadd.s32 $0xFFFFE003, lr  }
0x1b: {  	s9 =	sadd.s32 $0xFFFFFEF7, lr;
	s5 =	simm.s32 $0xFFFFFFFF;
	p2 =	slt.u32 s8, $0xFFFFF086  }
0x1c: {  	p1 =	slt.u32 s9, $0xF7A;
	s5 =	simm.s32 @!p2 $0x0  }
0x1d: {  	s5 =	simm.s32 @p1 $0x1;
	p0 =	seq.s32 s7, s2  }
0x1e: {  	s7 =	smul.u32 @!p0 $0xF7A, s2;
	p2 =	seq.s32 @!p0 s5, $0x0  }
0x1f: {  	s9 =	smul.u32 $0xF7A, s1;
	s8 =	simm.s32 @!p0 $0x1BF5;
	p2 =	por !p2, p0  }
0x20: {  	[sflag:s8] =	ssyncset.s32 @!p0 $0xFFFFF086;
	s6 =	sadd.s32 @!p0 s3, s7;
	s7 =	simm.s32 @!p0 $0x108  }
0x21: {  	s3 =	sadd.s32 s3, s9;
	s6 =	sadd.s32 @!p0 $0x88, s6;
	s7 =	simm.s32 @p2 $0x1082  }
0x22: {  	[simem:s7], [sflag:s8] =	dma.local @!p0 [hbm:s6], $0xF7A  }
0x23: {  	s9 =	sor.u32 $0xD0000000, s2;
	s6 =	simm.s32 $0x108;
	_ =	swait.ge @!p0 [sflag:s8], $0x0  }
0x24: {  	s3 =	sadd.s32 $0x88, s3;
	s6 =	simm.s32 @!p1 $0x1082;
	[sflag:s4] =	ssyncset.s32 $0xFFFFF086  }
0x25: {  	[simem:s6], [sflag:s4] =	dma.local [hbm:s3], $0xF7A  }
0x26: {  	[smem:$0x3F9E] =	sst s1;
	(tag) =	ssettag s2;
	_ =	strace s9  }
0x27: {  	s1 =	sld [smem:$0x3FAE]  }
0x28: {  	s2 =	sld [smem:$0x3FAF]  }
0x29: {  	s4 =	sld [smem:$0x3FB1]  }
0x2a: {  	p0 =	seq.s32 s5, $0x0;
	s5 =	sld [smem:$0x3FB2]  }
0x2b: {  	s6 =	sld [smem:$0x3FB3]  }
0x2c: {  	s7 =	sld [smem:$0x3FB4]  }
0x2d: {  	s3 =	simm.s32 $0x108;
	s8 =	sld [smem:$0x3FB5]  }
0x2e: {  	s3 =	simm.s32 @!p0 $0x1082;
	s9 =	sld [smem:$0x3FB6]  }
0x2f: {  	lr =	sadd.s32 s0, s3;
	s0 =	sld [smem:$0x3FAD]  }
0x30: {  	s3 =	sld [smem:$0x3FB0]  }
0x31: {  	[smem:$0x3FB9] =	sst s10  }
0x32: {  	s10 =	sld [smem:$0x3FB7];
	_ =	sdelay $0x3  }
0x33: {  	p0 =	seq.s32 s10, $0x1;
	s10 =	sld [smem:$0x3FB9];
	_ =	sdelay $0x3  }
0x34: {  	[smem:$0x3FB9] =	sst s10  }
0x35: {  	s10 =	sld [smem:$0x3FB8];
	_ =	sdelay $0x3  }
0x36: {  	p1 =	seq.s32 s10, $0x1;
	s10 =	sld [smem:$0x3FB9];
	_ =	sdelay $0x3  }
0x37: {  	[smem:$0x3FB9] =	sst s10  }
0x38: {  	s10 =	sld [smem:$0x3FBA]  }
0x39: {  	_ = 	snop;
	(pc) =	sbr.ind lr, $3  }
0x3a: {  	_ = 	snop  }
0x3b: {  	_ = 	snop  }
0x3c: {  	p2 =	seq.s32 s10, $0x1;
	s10 =	sld [smem:$0x3FB9]  }
0x3d: {  	_ =	shalt  }
0x3e: {  	_ =	shalt  }
0x3f: {  	_ =	shalt  }
0x40: {  	_ =	shalt  }
0x41: {  	_ =	shalt  }
0x42: {  	_ =	shalt  }
0x43: {  	_ =	shalt  }
0x44: {  	_ =	shalt  }
0x45: {  	_ =	shalt  }
0x46: {  	_ =	shalt  }
0x47: {  	_ =	shalt  }
0x48: {  	_ =	shalt  }
0x49: {  	_ =	shalt  }
0x4a: {  	_ =	shalt  }
0x4b: {  	_ =	shalt  }
0x4c: {  	_ =	shalt  }
0x4d: {  	_ =	shalt  }
0x4e: {  	_ =	shalt  }
0x4f: {  	_ =	shalt  }
0x50: {  	_ =	shalt  }
0x51: {  	_ =	shalt  }
0x52: {  	_ =	shalt  }
0x53: {  	_ =	shalt  }
0x54: {  	_ =	shalt  }
0x55: {  	_ =	shalt  }
0x56: {  	_ =	shalt  }
0x57: {  	_ =	shalt  }
0x58: {  	_ =	shalt  }
0x59: {  	_ =	shalt  }
0x5a: {  	_ =	shalt  }
0x5b: {  	_ =	shalt  }
0x5c: {  	_ =	shalt  }
0x5d: {  	_ =	shalt  }
0x5e: {  	_ =	shalt  }
0x5f: {  	_ =	shalt  }
0x60: {  	_ =	shalt  }
0x61: {  	_ =	shalt  }
0x62: {  	_ =	shalt  }
0x63: {  	_ =	shalt  }
0x64: {  	_ =	shalt  }
0x65: {  	_ =	shalt  }
0x66: {  	_ =	shalt  }
0x67: {  	_ =	shalt  }
0x68: {  	_ =	shalt  }
0x69: {  	_ =	shalt  }
0x6a: {  	_ =	shalt  }
0x6b: {  	_ =	shalt  }
0x6c: {  	_ =	shalt  }
0x6d: {  	_ =	shalt  }
0x6e: {  	_ =	shalt  }
0x6f: {  	_ =	shalt  }
0x70: {  	_ =	shalt  }
0x71: {  	_ =	shalt  }
0x72: {  	_ =	shalt  }
0x73: {  	_ =	shalt  }
0x74: {  	_ =	shalt  }
0x75: {  	_ =	shalt  }
0x76: {  	_ =	shalt  }
0x77: {  	_ =	shalt  }
0x78: {  	_ =	shalt  }
0x79: {  	_ =	shalt  }
0x7a: {  	_ =	shalt  }
0x7b: {  	_ =	shalt  }
0x7c: {  	_ =	shalt  }
0x7d: {  	_ =	shalt  }
0x7e: {  	_ =	shalt  }
0x7f: {  	_ =	shalt  }
0x80: {  	_ =	shalt  }
0x81: {  	_ =	shalt  }
0x82: {  	_ =	shalt  }
0x83: {  	_ =	shalt  }
0x84: {  	_ =	shalt  }
0x85: {  	_ =	shalt  }
0x86: {  	_ =	shalt  }
0x87: {  	_ =	shalt  }
.Lfunc_end0:
.L_simem_size_0:
called_computation.2_lowered:
.L_overlay_start_0:
0x88: {  	s2 =	sld [smem:$0x3FD9]  }
0x89: {  	s3 =	sld [smem:$0x3FFE];
	_ =	sdelay $0x1  }
0x8a: {  	s1 =	srdreg.scid  }
0x8b: {  	s0 =	sand.u32 $0x1, s1  }
0x8c: {  	s14 =	sshll.u32 s0, $0xA;
	s2 =	sadd.s32 s3, s2  }
0x8d: {  	s2 =	sadd.s32 s2, s14  }
0x8e: {  	[smem:$0x3FC5] =	sst s2  }
0x8f: {  	_ = 	snop  }
0x90: {  	s2 =	sld [smem:$0x3FD0];
	_ =	sdelay $0x2  }
0x91: {  	s15 =	simm.s32 $0xA;
	s4 =	simm.s32 $0x10  }
0x92: {  	[smem:s4], [sflag:s15] =	dma.local [hbm:s2], $0x1  }
0x93: {  	_ =	swait.eq [sflag:s15], $0x1  }
0x94: {  	[sflag:s15] =	ssyncset.done $0x0  }
0x95: {  	s16 =	sld [smem:$0x10];
	[sflag:s15] =	ssyncadd.s32 $0xFFFFFFFF  }
0x96: {  	s17 =	sld [smem:$0x11];
	(tm) =	ssettm $0x1  }
0x97: {  	s18 =	sld [smem:$0x3FFB];
	_ =	sdelay $0x3  }
0x98: {  	_ =	strace s18  }
0x99: {  	s4 =	sld [smem:$0x3FFC];
	_ =	sdelay $0x3  }
0x9a: {  	_ =	strace s4  }
0x9b: {  	s4 =	sld [smem:$0x3FFD];
	_ =	sdelay $0x3  }
0x9c: {  	_ =	strace s4  }
0x9d: {  	_ =	strace $0x8FFFFFFF  }
0x9e: {  	s19 =	sld [smem:$0x3FDB];
	_ =	sdelay $0x1  }
0x9f: {  	s5 =	simm.s32 $_scs_section_size  }
0xa0: {  	s6 =	simm.s32 $_size__tile_overlayer_lowered;
	s7 =	simm.s32 $_tile_overlayer_lowered  }
0xa1: {  	s22 =	simm.s32 $0x1BFF;
	s21 =	sshll.u32 s7, $0x1;
	s4 =	sadd.s32 s5, s19  }
0xa2: {  	s8 =	simm.s32 $0x0;
	s20 =	sshll.u32 s6, $0x1;
	s6 =	sadd.s32 s21, s4  }
0xa3: {  	[timem:s8], [sflag:s22] =	dma.local [hbm:s6], s20  }
0xa4: {  	_ =	swait.ge [sflag:s22], s20  }
0xa5: {  	s5 =	ssub.s32 $0x0, s20;
	[sflag:s22] =	ssyncset.done $0x0  }
0xa6: {  	[sflag:s22] =	ssyncadd.s32 s5;
	_ =	sdelay $0x1  }
0xa7: {  	s23 =	simm.s32 $0x1B8B  }
0xa8: {  	_ =	swait.ge [sflag:s23], $0x1  }
0xa9: {  	[sflag:s23] =	ssyncset.done $0x0  }
0xaa: {  	s25 =	simm.s32 $0x1B8E;
	s24 =	sld [smem:$0x3FFE];
	[sflag:s23] =	ssyncadd.s32 $0xFFFFFFFF  }
0xab: {  	s26 =	simm.s32 $execute0_lowered;
	[smem:$0x3FD2] =	sst s25  }
0xac: {  	s6 =	sshll.u32 s26, $0x1;
	_ =	strace $0x80000049;
	[dreg:$0x1] =	wrdreg $0xFFFFFFFF  }
0xad: {  	s28 =	simm.s32 $_size_execute0_lowered;
	s4 =	sadd.s32 s4, s6;
	[dreg:$0x0] =	wrdreg $0x0  }
0xae: {  	s6 =	sshll.u32 s28, $0x1;
	[dreg:$0x2] =	wrdreg s4  }
0xaf: {  	[dreg:$0x3] =	wrdreg s6  }
0xb0: {  	[dreg:$0x4] =	wrdreg $0xC0  }
0xb1: {  	_ =	task [dreg:s8], $0x5FFFF  }
0xb2: {  	[dreg:$0x1] =	wrdreg $0xFFFFFFFF  }
0xb3: {  	[dreg:$0x0] =	wrdreg $0x60  }
0xb4: {  	[dreg:$0x2] =	wrdreg s17  }
0xb5: {  	[dreg:$0x3] =	wrdreg s24  }
0xb6: {  	[dreg:$0x4] =	wrdreg s16  }
0xb7: {  	[dreg:$0x5] =	wrdreg $0x9  }
0xb8: {  	_ =	task.clear_ibuf [dreg:s8], $0x6FFFF;
	_ =	strace $0x90000049  }
0xb9: {  	s29 =	simm.s32 $0x9;
	_ =	strace $0x8000004B  }
0xba: {  	_ =	swait.ge [sflag:s29], $0x1  }
0xbb: {  	[sflag:s29] =	ssyncadd.s32 $0xFFFFFFFF  }
0xbc: {  	_ =	strace $0x9000004B  }
0xbd: {  	_ =	sfence  }
0xbe: {  	s30 =	sld [smem:$0x0];
	_ =	sdelay $0x2  }
0xbf: {  	s31 =	sshll.u32 s1, $0xD;
	s1 =	sshrl.u32 s1, $0x2  }
0xc0: {  	s3 =	sand.u32 $0x4000, s31;
	s1 =	sadd.s32 s1, s30  }
0xc1: {  	s0 =	sor.u32 s3, s0;
	s1 =	sshll.u32 s1, $0x11  }
0xc2: {  	s0 =	sor.u32 s1, s0  }
0xc3: {  	s0 =	sadd.s32 $0x8F2B, s0  }
0xc4: {  	[sflag:s0] =	ssyncadd.remote.s32 $0x1  }
0xc5: {  	_ =	sfence.sel $0xFFFF  }
0xc6: {  	[dreg:$0x0] =	wrdreg $0xFFFFFFFF;
	(pc) =	sbr.abs _section_cstart, $3  }
0xc7: {  	[dreg:$0x1] =	wrdreg $0xFFFFFFFF  }
0xc8: {  	_ =	task.clear_ibuf [dreg:s8], $0x2FFFF;
	_ =	strace $0x9FFFFFFF  }
0xc9: {  	(tm) =	ssettm $0x7FFFFFFF  }
tec
execute0_lowered:
.L_overlay_start_1:
0x0: {  	(tag) =	ssettag $0x1  }
0x1: {  	s5 =	rddreg [dreg:$0x0]  }
0x2: {  	s4 =	rddreg [dreg:$0x1]  }
0x3: {  	s10 =	rddreg [dreg:$0x2]  }
0x4: {  	s0 =	rddreg [dreg:$0x3];
	s2 =	simm.s32 $0x0  }
0x5: {  	s3 =	srdreg.scid;
	s1 =	stileid.u32;
	s15 =	simm.s32 $0x3000  }
0x6: {  	s16 =	simm.s32 $0x1;
	s17 =	simm.s32 $0xD000;
	s18 =	simm.s32 $0x3200  }
0x7: {  	s19 =	simm.s32 $0x2;
	s20 =	simm.s32 $0xD200;
	s21 =	simm.s32 $0x0  }
0x8: {  	[smem:$0x7FF] =	sst s2;
	s9 =	sand.u32 $0x1, s3;
	s6 =	smul.u32 $0x9A0000, s1  }
0x9: {  	s7 =	sshll.u32 s1, $0x8;
	s3 =	sadd.s32 $0x305200, s4;
	s30 =	smul.u32 $0x134000, s1  }
0xa: {  	s4 =	sadd.s32 $0x1200, s4;
	s8 =	sshll.u32 s9, $0x7;
	s11 =	smul.u32 $0x4D0000, s9  }
0xb: {  	s12 =	ssub.s32 $0x2, s9;
	s14 =	smul.u32 $0x9A000, s9;
	s7 =	sor.u32 s8, s7  }
0xc: {  	_ =	strace $0x8000004A;
	s24 =	sshrl.u32 s12, $0x1;
	s7 =	smul.u32 $0xA, s7  }
0xd: {  	s11 =	sadd.s32 s11, s6;
	s25 =	ssub.s32 s12, s24;
	s12 =	sadd.s32 s30, s10  }
0xe: {  	s26 =	sor.u32 $0xA00, s11;
	s6 =	smax.u32 s25, $0x1;
	s29 =	sshrl.u32 s11, $0x3  }
0xf: {  	s13 =	sor.u32 $0xA400, s11;
	s11 =	sor.u32 $0x9C00, s11;
	s12 =	sadd.s32 s14, s12  }
0x10: {  	s14 =	simm.s32 $0x50;
	s5 =	sadd.s32 s5, s7;
	s28 =	sshrl.u32 s26, $0x3  }
0x11: {  	s8 =	sadd.s32 s29, s10;
	s31 =	sshrl.u32 s13, $0x3;
	s11 =	sshrl.u32 s11, $0x3  }
0x12: {  	s13 =	simm.s32 $0x2800;
	s7 =	sadd.s32 s28, s10;
	s9 =	sadd.s32 s31, s10  }
0x13: {  	s10 =	sadd.s32 s11, s10;
	s11 =	sadd.s32 $0x1340, s12;
	s12 =	simm.s32 $0x3  }
.LBB2_1:
0x14: {  	[tilespmem:s2], [sflag:$0x3] =	stream.linear.gather [hbm4b:s5+s2], $0x2800, $0x38;
	[tilespmem:$0x17000] =	vst v63  }
0x15: {  	_ =	swait.ge [sflag:s12], $0x2800  }
0x16: {  	[sflag:s12] =	ssyncset.done $0x0  }
0x17: {  	[sflag:s12] =	ssyncadd.s32 $0xFFFFD800  }
0x18: {  	[tilespmem:s13], [sflag:$0x3] =	stream.linear.gather [hbm4b:s3+s2], $0x800, $0x38;
	[tilespmem:$0x17000] =	vst v63  }
0x19: {  	_ =	swait.ge [sflag:s12], $0x800  }
0x1a: {  	[sflag:s12] =	ssyncset.done $0x0  }
0x1b: {  	[sflag:s12] =	ssyncadd.s32 $0xFFFFF800  }
0x1c: {  	[tilespmem:s15], [sflag:$0x1] =	stream.indirect.gather [hbm4b:s4+s14], $0x200, s2, s14, $0xb8;
	[tilespmem:$0x17000] =	vst v63  }
0x1d: {  	_ =	swait.ge [sflag:s16], $0xA000  }
0x1e: {  	[sflag:s16] =	ssyncset.done $0x0  }
0x1f: {  	s22 =	simm.s32 $0x50;
	[sflag:s16] =	ssyncadd.s32 $0xFFFF6000  }
0x20: {  	[tilespmem:s17], [sflag:$0x2] =	stream.indirect.gather [hbm4b:s4+s14], $0x200, s22, s14, $0xb8;
	[tilespmem:$0x17000] =	vst v63  }
0x21: {  	s26 =	sadd.s32 $0x0, s8  }
0x22: {  	[hbm4b:s26+s2] =	stream.linear.scatter [tilespmem:s15], [sflag:$0x3], $0x200, $0x38;
	[tilespmem:$0x17000] =	vst v63  }
0x23: {  	_ =	swait.ge [sflag:s12], $0x200  }
0x24: {  	[sflag:s12] =	ssyncset.done $0x0  }
0x25: {  	s22 =	sadd.s32 $0x40, s26;
	[sflag:s12] =	ssyncadd.s32 $0xFFFFFE00  }
0x26: {  	[hbm4b:s22+s2] =	stream.linear.scatter [tilespmem:s13], [sflag:$0x3], $0x800, $0x38;
	[tilespmem:$0x17000] =	vst v63  }
0x27: {  	_ =	swait.ge [sflag:s12], $0x800  }
0x28: {  	[sflag:s12] =	ssyncset.done $0x0  }
0x29: {  	s28 =	sadd.s32 $0x0, s7;
	[sflag:s12] =	ssyncadd.s32 $0xFFFFF800  }
0x2a: {  	[hbm4b:s28+s2] =	stream.linear.scatter [tilespmem:s18], [sflag:$0x3], $0x9000, $0x38;
	[tilespmem:$0x17000] =	vst v63  }
0x2b: {  	_ =	swait.ge [sflag:s12], $0x9000  }
0x2c: {  	[sflag:s12] =	ssyncset.done $0x0  }
0x2d: {  	[sflag:s12] =	ssyncadd.s32 $0xFFFF7000  }
0x2e: {  	p0 =	por $0x0, $0x0;
	_ =	swait.ge [sflag:s19], $0xA000  }
0x2f: {  	s23 =	simm.s32 @!p0 $0x50;
	[sflag:s19] =	ssyncset.done $0x0  }
0x30: {  	s24 =	simm.s32 @!p0 $0x3000;
	s22 =	simm.s32 $0xA0;
	[sflag:s19] =	ssyncadd.s32 $0xFFFF6000  }
0x31: {  	[tilespmem:s24], [sflag:$0x1] =	stream.indirect.gather @!p0 [hbm4b:s4+s23], $0x200, s22, s23, $0xb8;
	[tilespmem:$0x17000] =	vst v63  }
0x32: {  	s29 =	sadd.s32 $0x0, s11  }
0x33: {  	[hbm4b:s29+s2] =	stream.linear.scatter [tilespmem:s17], [sflag:$0x3], $0x200, $0x38;
	[tilespmem:$0x17000] =	vst v63  }
0x34: {  	_ =	swait.ge [sflag:s12], $0x200  }
0x35: {  	[sflag:s12] =	ssyncset.done $0x0  }
0x36: {  	s30 =	sadd.s32 $0x0, s10;
	[sflag:s12] =	ssyncadd.s32 $0xFFFFFE00  }
0x37: {  	[hbm4b:s30+s2] =	stream.linear.scatter [tilespmem:s13], [sflag:$0x3], $0x800, $0x38;
	[tilespmem:$0x17000] =	vst v63  }
0x38: {  	_ =	swait.ge [sflag:s12], $0x800  }
0x39: {  	[sflag:s12] =	ssyncset.done $0x0  }
0x3a: {  	s31 =	sadd.s32 $0x0, s9;
	[sflag:s12] =	ssyncadd.s32 $0xFFFFF800  }
0x3b: {  	[hbm4b:s31+s2] =	stream.linear.scatter [tilespmem:s20], [sflag:$0x3], $0x9000, $0x38;
	[tilespmem:$0x17000] =	vst v63  }
0x3c: {  	_ =	swait.ge [sflag:s12], $0x9000  }
0x3d: {  	s23 =	simm.s32 $0x2680;
	[sflag:s12] =	ssyncset.done $0x0  }
.LBB2_2:
0x3e: {  	[sflag:s12] =	ssyncadd.s32 $0xFFFF7000  }
0x3f: {  	s22 =	sadd.s32 $0xA0, s22;
	s24 =	smov.u32 s23;
	s23 =	sadd.s32 $0x2680, s23  }
0x40: {  	_ =	swait.ge [sflag:s16], $0xA000;
	p0 =	sne.s32 s23, $0x9A000  }
0x41: {  	[sflag:s16] =	ssyncset.done $0x0  }
0x42: {  	s25 =	sadd.s32 $0xFFFFFFB0, s22;
	[sflag:s16] =	ssyncadd.s32 $0xFFFF6000  }
0x43: {  	[tilespmem:s17], [sflag:$0x2] =	stream.indirect.gather [hbm4b:s4+s14], $0x200, s25, s14, $0xb8;
	[tilespmem:$0x17000] =	vst v63  }
0x44: {  	s25 =	sadd.s32 s24, s8  }
0x45: {  	[hbm4b:s25+s2] =	stream.linear.scatter [tilespmem:s15], [sflag:$0x3], $0x200, $0x38;
	[tilespmem:$0x17000] =	vst v63  }
0x46: {  	_ =	swait.ge [sflag:s12], $0x200  }
0x47: {  	[sflag:s12] =	ssyncset.done $0x0  }
0x48: {  	s25 =	sadd.s32 $0x40, s25;
	[sflag:s12] =	ssyncadd.s32 $0xFFFFFE00  }
0x49: {  	[hbm4b:s25+s2] =	stream.linear.scatter [tilespmem:s13], [sflag:$0x3], $0x800, $0x38;
	[tilespmem:$0x17000] =	vst v63  }
0x4a: {  	_ =	swait.ge [sflag:s12], $0x800  }
0x4b: {  	[sflag:s12] =	ssyncset.done $0x0  }
0x4c: {  	s25 =	sadd.s32 s24, s7;
	[sflag:s12] =	ssyncadd.s32 $0xFFFFF800  }
0x4d: {  	[hbm4b:s25+s2] =	stream.linear.scatter [tilespmem:s18], [sflag:$0x3], $0x9000, $0x38;
	[tilespmem:$0x17000] =	vst v63  }
0x4e: {  	_ =	swait.ge [sflag:s12], $0x9000  }
0x4f: {  	[sflag:s12] =	ssyncset.done $0x0  }
0x50: {  	[sflag:s12] =	ssyncadd.s32 $0xFFFF7000  }
0x51: {  	_ =	swait.ge [sflag:s19], $0xA000  }
0x52: {  	p1 =	seq.s32 s24, $0x97980;
	[sflag:s19] =	ssyncset.done $0x0  }
0x53: {  	s26 =	simm.s32 @!p1 $0x3000;
	s25 =	simm.s32 @!p1 $0x50;
	[sflag:s19] =	ssyncadd.s32 $0xFFFF6000  }
0x54: {  	[tilespmem:s26], [sflag:$0x1] =	stream.indirect.gather @!p1 [hbm4b:s4+s25], $0x200, s22, s25, $0xb8;
	[tilespmem:$0x17000] =	vst v63  }
0x55: {  	s25 =	sadd.s32 s24, s11  }
0x56: {  	[hbm4b:s25+s2] =	stream.linear.scatter [tilespmem:s17], [sflag:$0x3], $0x200, $0x38;
	[tilespmem:$0x17000] =	vst v63  }
0x57: {  	_ =	swait.ge [sflag:s12], $0x200  }
0x58: {  	[sflag:s12] =	ssyncset.done $0x0  }
0x59: {  	s25 =	sadd.s32 s24, s10;
	[sflag:s12] =	ssyncadd.s32 $0xFFFFFE00  }
0x5a: {  	[hbm4b:s25+s2] =	stream.linear.scatter [tilespmem:s13], [sflag:$0x3], $0x800, $0x38;
	[tilespmem:$0x17000] =	vst v63  }
0x5b: {  	_ =	swait.ge [sflag:s12], $0x800  }
.Ltmp0:
0x5c: {  	[sflag:s12] =	ssyncset.done $0x0;
	(pc) =	sbr.rel @p0 .LBB2_2-.Ltmp0, $4  }
0x5d: {  	s24 =	sadd.s32 s24, s9;
	[sflag:s12] =	ssyncadd.s32 $0xFFFFF800  }
0x5e: {  	[hbm4b:s24+s2] =	stream.linear.scatter [tilespmem:s20], [sflag:$0x3], $0x9000, $0x38;
	[tilespmem:$0x17000] =	vst v63  }
0x5f: {  	_ =	swait.ge [sflag:s12], $0x9000  }
0x60: {  	[sflag:s12] =	ssyncset.done $0x0  }
0x61: {  	s21 =	sadd.s32 $0x1, s21  }
0x62: {  	p0 =	sne.s32 s21, s6  }
.Ltmp1:
0x63: {  	_ = 	snop;
	(pc) =	sbr.rel @p0 .LBB2_1-.Ltmp1, $2  }
0x64: {  	_ =	sdelay $0x2  }
0x65: {  	[sflag:s12] =	ssyncadd.s32 $0xFFFF7000  }
0x66: {  	_ =	sfence.sel $0x180000  }
0x67: {  	[bflag:$0x0] =	sbarrier.arrive $0xFFFF  }
0x68: {  	p0 =	sne.s32 s1, $0x0;
	_ =	strace $0x9000004A  }
0x69: {  	s0 =	sadd.s32 @!p0 $0x100000, s0;
	[bflag:$0x2] =	sbarrier.arrive $0xFFFF  }
0x6a: {  	[sflag:s0] =	ssyncadd.tile.s32 @!p0 $0x1;
	_ =	shalt  }
.Lfunc_end2:
_tile_overlayer_lowered:
.L_overlay_start_2:
0x6b: {  	(tag) =	ssettag $0x2  }
0x6c: {  	s0 =	rddreg [dreg:$0x0];
	s2 =	stileid.u32  }
0x6d: {  	s1 =	rddreg [dreg:$0x1];
	p0 =	sne.s32 s2, $0x0  }
0x6e: {  	s3 =	rddreg [dreg:$0x2];
	[bflag:$0x3] =	sbarrier.arrive $0xFFFF;
	s2 =	simm.s32 @!p0 $0x1C03  }
0x6f: {  	[timem:s3], [sflag:s2] =	dma.local @!p0 [hbm:s0], s1  }
0x70: {  	s0 =	simm.s32 @!p0 $0x3  }
0x71: {  	_ =	swait.ge @!p0 [sflag:s0], s1  }
0x72: {  	s1 =	ssub.s32 @!p0 $0x0, s1;
	[sflag:s0] =	ssyncset.done @!p0 $0x0  }
0x73: {  	[sflag:s0] =	ssyncadd.s32 @!p0 s1  }
0x74: {  	[bflag:$0x3] =	sbarrier.arrive $0xFFFF  }
0x75: {  	_ =	shalt  }

// kernel: sparse-core-data-format-call.1.cloned.1.call-start
scs
called_computation.1_lowered:
.L_overlay_start_0:
0x0: {  	s2 =	sld [smem:$0x3FD9]  }
0x1: {  	s3 =	sld [smem:$0x3FFE];
	_ =	sdelay $0x1  }
0x2: {  	s1 =	srdreg.scid  }
0x3: {  	s0 =	sand.u32 $0x1, s1  }
0x4: {  	s18 =	sshll.u32 s0, $0xA;
	s2 =	sadd.s32 s3, s2  }
0x5: {  	s2 =	sadd.s32 s2, s18  }
0x6: {  	[smem:$0x3FC5] =	sst s2  }
0x7: {  	_ = 	snop  }
0x8: {  	s2 =	sld [smem:$0x3FC7];
	(tm) =	ssettm $0x1  }
0x9: {  	s19 =	sld [smem:$0x3FFB];
	_ =	sdelay $0x3  }
0xa: {  	_ =	strace s19  }
0xb: {  	s3 =	sld [smem:$0x3FFC];
	_ =	sdelay $0x3  }
0xc: {  	_ =	strace s3  }
0xd: {  	s3 =	sld [smem:$0x3FFD];
	_ =	sdelay $0x3  }
0xe: {  	_ =	strace s3  }
0xf: {  	_ =	strace $0x8FFFFFFF  }
0x10: {  	s20 =	sld [smem:$0x3FDB];
	_ =	sdelay $0x1  }
0x11: {  	s4 =	simm.s32 $_scs_section_size  }
0x12: {  	s5 =	simm.s32 $_size__tile_overlayer_lowered;
	s6 =	simm.s32 $_tile_overlayer_lowered  }
0x13: {  	s23 =	simm.s32 $0x1BFF;
	s22 =	sshll.u32 s6, $0x1;
	s3 =	sadd.s32 s4, s20  }
0x14: {  	s7 =	simm.s32 $0x0;
	s21 =	sshll.u32 s5, $0x1;
	s5 =	sadd.s32 s22, s3  }
0x15: {  	[timem:s7], [sflag:s23] =	dma.local [hbm:s5], s21  }
0x16: {  	_ =	swait.ge [sflag:s23], s21  }
0x17: {  	s4 =	ssub.s32 $0x0, s21;
	[sflag:s23] =	ssyncset.done $0x0  }
0x18: {  	[sflag:s23] =	ssyncadd.s32 s4;
	_ =	sdelay $0x1  }
0x19: {  	s24 =	simm.s32 $0x1B8B  }
0x1a: {  	_ =	swait.ge [sflag:s24], $0x1  }
0x1b: {  	[sflag:s24] =	ssyncset.done $0x0  }
0x1c: {  	s26 =	simm.s32 $0x1B8E;
	s25 =	sld [smem:$0x3FFE];
	[sflag:s24] =	ssyncadd.s32 $0xFFFFFFFF  }
0x1d: {  	s27 =	simm.s32 $execute0_lowered;
	[smem:$0x3FD2] =	sst s26  }
0x1e: {  	s5 =	sshll.u32 s27, $0x1;
	_ =	strace $0x80000046;
	[dreg:$0x1] =	wrdreg $0xFFFFFFFF  }
0x1f: {  	s28 =	simm.s32 $_size_execute0_lowered;
	s3 =	sadd.s32 s3, s5;
	[dreg:$0x0] =	wrdreg $0x0  }
0x20: {  	s5 =	sshll.u32 s28, $0x1;
	[dreg:$0x2] =	wrdreg s3  }
0x21: {  	[dreg:$0x3] =	wrdreg s5  }
0x22: {  	[dreg:$0x4] =	wrdreg $0xC0  }
0x23: {  	_ =	task [dreg:s7], $0x5FFFF  }
0x24: {  	[dreg:$0x1] =	wrdreg $0xFFFFFFFF  }
0x25: {  	[dreg:$0x0] =	wrdreg $0x60  }
0x26: {  	[dreg:$0x2] =	wrdreg s2  }
0x27: {  	[dreg:$0x3] =	wrdreg s25  }
0x28: {  	[dreg:$0x4] =	wrdreg $0x9  }
0x29: {  	_ =	task.clear_ibuf [dreg:s7], $0x5FFFF;
	_ =	strace $0x90000046  }
0x2a: {  	s29 =	simm.s32 $0x9;
	_ =	strace $0x80000048  }
0x2b: {  	_ =	swait.ge [sflag:s29], $0x1  }
0x2c: {  	[sflag:s29] =	ssyncadd.s32 $0xFFFFFFFF  }
0x2d: {  	_ =	strace $0x90000048  }
0x2e: {  	_ =	sfence  }
0x2f: {  	s30 =	sld [smem:$0x0];
	_ =	sdelay $0x2  }
0x30: {  	s31 =	sshll.u32 s1, $0xD;
	s1 =	sshrl.u32 s1, $0x2  }
0x31: {  	s3 =	sand.u32 $0x4000, s31;
	s1 =	sadd.s32 s1, s30  }
0x32: {  	s0 =	sor.u32 s3, s0;
	s1 =	sshll.u32 s1, $0x11  }
0x33: {  	s0 =	sor.u32 s1, s0  }
0x34: {  	s0 =	sadd.s32 $0x8F2B, s0  }
0x35: {  	[sflag:s0] =	ssyncadd.remote.s32 $0x1  }
0x36: {  	_ =	sfence.sel $0xFFFF  }
0x37: {  	[dreg:$0x0] =	wrdreg $0xFFFFFFFF;
	(pc) =	sbr.abs _section_cstart, $3  }
0x38: {  	[dreg:$0x1] =	wrdreg $0xFFFFFFFF  }
0x39: {  	_ =	task.clear_ibuf [dreg:s7], $0x2FFFF;
	_ =	strace $0x9FFFFFFF  }
0x3a: {  	(tm) =	ssettm $0x7FFFFFFF  }
0x3b: {  	_ =	shalt  }
tec
execute0_lowered:
.L_overlay_start_1:
0x0: {  	(tag) =	ssettag $0x1  }
0x1: {  	s0 =	srdreg.scid  }
0x2: {  	s1 =	sshll.u32 s0, $0x4  }
0x3: {  	s2 =	rddreg [dreg:$0x0];
	s0 =	stileid.u32;
	s1 =	sand.u32 $0x10, s1  }
0x4: {  	s4 =	rddreg [dreg:$0x1];
	s7 =	simm.s32 $0x1;
	s1 =	sor.u32 s0, s1  }
0x5: {  	s8 =	simm.s32 $0x2;
	s9 =	simm.s32 $0x0;
	s3 =	sshll.u32 s1, $0x2  }
0x6: {  	s12 =	simm.s32 $0x0;
	s11 =	simm.s32 $0x0;
	s6 =	ssub.s32 $0x1820, s3  }
.Ltmp0:
0x7: {  	s4 =	sadd.s32 $0x1200, s4;
	s5 =	sand.u32 $0x7C, s6;
	(pc) =	sbr.rel .LBB1_1-.Ltmp0, $4  }
0x8: {  	s1 =	rddreg [dreg:$0x2];
	_ =	strace $0x80000047;
	p0 =	sne.s32 s5, $0x0  }
0x9: {  	s6 =	sshrl.u32 s6, $0x7;
	s5 =	simm.s32 $0x1;
	s7 =	simm.s32 @!p0 $0x0  }
0xa: {  	s10 =	smov.u32 s3;
	[sflag:s5] =	ssyncpa.u1 $0x0;
	s6 =	sadd.s32 s7, s6  }
0xb: {  	[sflag:s8] =	ssyncpa.u1 $0x0;
	s8 =	simm.s32 $0x0;
	s7 =	sadd.s32 $0x1, s6  }
.LBB1_9:
0xc: {  	s14 =	sadd.s32 $0x80, s10  }
0xd: {  	p1 =	sgt.s32 s14, $0x181F  }
0xe: {  	s14 =	smov.u32 @p1 s3;
	p1 =	sne.s32 s11, s7  }
.Ltmp1:
0xf: {  	p0 =	slt.u32 s11, $0x2;
	(pc) =	sbr.rel @!p1 .LBB1_10-.Ltmp1, $4  }
0x10: {  	s13 =	simm.s32 @!p0 $0x2  }
0x11: {  	s15 =	sadd.s32 $0x1, s11;
	_ =	swait.ge @!p0 [sflag:s13], $0x4000  }
0x12: {  	s12 =	smov.u32 s10;
	s9 =	sadd.s32 $0x4000, s9;
	[sflag:s13] =	ssyncset.done @!p0 $0x0  }
0x13: {  	s11 =	smov.u32 s15;
	s10 =	smov.u32 s14;
	[sflag:s13] =	ssyncadd.s32 @!p0 $0xFFFFC000  }
.LBB1_1:
0x14: {  	p0 =	sge.u32 s11, s6  }
0x15: {  	s13 =	sxor.u32 @!p0 $0xFFFFFFFF, s11  }
0x16: {  	s31 =	sadd.s32 $0xFFFFFFFF, s11;
	s14 =	sshll.u32 @!p0 s10, $0x9;
	s13 =	sshll.u32 @!p0 s13, $0xE  }
0x17: {  	s15 =	simm.s32 @!p0 $0x0;
	s14 =	sadd.s32 @!p0 s2, s14;
	s13 =	sand.u32 @!p0 $0x4000, s13  }
0x18: {  	[tilespmem:s13], [sflag:$0x1] =	stream.linear.gather @!p0 [hbm4b:s14+s15], $0x4000, $0x38;
	[tilespmem:$0x10000] =	vst v63  }
0x19: {  	p0 =	sge.u32 s31, s6  }
.Ltmp2:
0x1a: {  	_ = 	snop;
	(pc) =	sbr.rel @p0 .LBB1_9-.Ltmp2, $1  }
0x1b: {  	_ =	sdelay $0x3  }
0x1c: {  	s14 =	sand.u32 $0x4000, s9  }
0x1d: {  	_ =	swait.ge [sflag:s5], $0x4000;
	s15 =	sshll.u32 s11, $0xE;
	s16 =	simm.s32 $0x0  }
0x1e: {  	s13 =	sor.u32 $0x40, s14;
	[sflag:s5] =	ssyncset.done $0x0;
	s15 =	sand.u32 $0x4000, s15  }
0x1f: {  	s14 =	sor.u32 $0x8040, s14;
	[sflag:s5] =	ssyncadd.s32 $0xFFFFC000;
	s15 =	sor.u32 $0x8000, s15  }
.LBB1_3:
0x20: {  	s17 =	smov.u32 s14;
	s18 =	smov.u32 s13;
	s19 =	simm.s32 $0x0  }
.LBB1_4:
0x21: {  	v0 =	vmov s17;
	v2 =	vld [tilespmem:s18+$0x30]  }
0x22: {  	v4 =	vld [tilespmem:s18+$0xFFFFFFD0]  }
0x23: {  	v6 =	vld [tilespmem:s18+$0xFFFFFFE0]  }
0x24: {  	v7 =	vld [tilespmem:s18+$0xFFFFFFF0]  }
0x25: {  	s20 =	simm.s32 $0x0;
	v1 =	vld [tilespmem:s18+$0x0]  }
0x26: {  	v3 =	vld [tilespmem:s18+$0x10];
	[tilespmem:v0+s20+$0x30 ss:$0x1] =	vst.idx.msk $0xffff, v2  }
0x27: {  	v5 =	vld [tilespmem:s18+$0x20];
	[tilespmem:v0+s20+$0xFFFFFFD0 ss:$0x1] =	vst.idx.msk $0xffff, v4  }
0x28: {  	s21 =	sadd.s32 $0x80, s18;
	v2 =	vld [tilespmem:s18+$0xFFFFFFC0];
	[tilespmem:v0+s20+$0xFFFFFFE0 ss:$0x1] =	vst.idx.msk $0xffff, v6  }
0x29: {  	s22 =	simm.s32 $0x800;
	s23 =	simm.s32 $0x1000;
	v4 =	vld [tilespmem:s21+$0x30];
	[tilespmem:v0+s20+$0xFFFFFFF0 ss:$0x1] =	vst.idx.msk $0xffff, v7  }
.LBB1_5:
0x2a: {  	p0 =	sne.s32 s23, $0x3800;
	v6 =	vld [tilespmem:s21+$0xFFFFFFD0];
	[tilespmem:v0+s20+$0x0 ss:$0x1] =	vst.idx.msk $0xffff, v1  }
0x2b: {  	v7 =	vld [tilespmem:s21+$0xFFFFFFE0];
	[tilespmem:v0+s20+$0x10 ss:$0x1] =	vst.idx.msk $0xffff, v3  }
0x2c: {  	v8 =	vld [tilespmem:s21+$0xFFFFFFF0];
	[tilespmem:v0+s20+$0x20 ss:$0x1] =	vst.idx.msk $0xffff, v5  }
.Ltmp3:
0x2d: {  	v1 =	vld [tilespmem:s21+$0x0];
	[tilespmem:v0+s20+$0xFFFFFFC0 ss:$0x1] =	vst.idx.msk $0xffff, v2;
	s20 =	sshra.s32 s22, $0x2;
	s22 =	smov.u32 s23;
	(pc) =	sbr.rel @p0 .LBB1_5-.Ltmp3, $4  }
0x2e: {  	v3 =	vld [tilespmem:s21+$0x10];
	[tilespmem:v0+s20+$0x30 ss:$0x1] =	vst.idx.msk $0xffff, v4  }
0x2f: {  	[tilespmem:v0+s20+$0xFFFFFFD0 ss:$0x1] =	vst.idx.msk $0xffff, v6;
	v5 =	vld [tilespmem:s21+$0x20]  }
0x30: {  	v2 =	vld [tilespmem:s21+$0xFFFFFFC0];
	[tilespmem:v0+s20+$0xFFFFFFE0 ss:$0x1] =	vst.idx.msk $0xffff, v7;
	s21 =	sadd.s32 $0x80, s21  }
0x31: {  	s23 =	sadd.s32 $0x800, s23;
	v4 =	vld [tilespmem:s21+$0x30];
	[tilespmem:v0+s20+$0xFFFFFFF0 ss:$0x1] =	vst.idx.msk $0xffff, v8  }
0x32: {  	_ =	sdelay $0x3  }
0x33: {  	v6 =	vld [tilespmem:s21+$0xFFFFFFD0];
	[tilespmem:v0+s20+$0x0 ss:$0x1] =	vst.idx.msk $0xffff, v1  }
0x34: {  	v58 =	vld [tilespmem:s21+$0xFFFFFFE0];
	[tilespmem:v0+s20+$0x10 ss:$0x1] =	vst.idx.msk $0xffff, v3  }
0x35: {  	v59 =	vld [tilespmem:s21+$0xFFFFFFF0];
	[tilespmem:v0+s20+$0x20 ss:$0x1] =	vst.idx.msk $0xffff, v5  }
0x36: {  	s22 =	sshra.s32 s22, $0x2;
	v60 =	vld [tilespmem:s21+$0x0];
	[tilespmem:v0+s20+$0xFFFFFFC0 ss:$0x1] =	vst.idx.msk $0xffff, v2  }
0x37: {  	v61 =	vld [tilespmem:s21+$0x10];
	[tilespmem:v0+s22+$0x30 ss:$0x1] =	vst.idx.msk $0xffff, v4  }
0x38: {  	v62 =	vld [tilespmem:s21+$0x20];
	s19 =	sadd.s32 $0x1, s19;
	[tilespmem:v0+s22+$0xFFFFFFD0 ss:$0x1] =	vst.idx.msk $0xffff, v6  }
0x39: {  	v63 =	vld [tilespmem:s21+$0xFFFFFFC0];
	p0 =	sne.s32 s19, $0x4;
	[tilespmem:v0+s22+$0xFFFFFFE0 ss:$0x1] =	vst.idx.msk $0xffff, v58  }
.Ltmp4:
0x3a: {  	[tilespmem:v0+s22+$0xFFFFFFF0 ss:$0x1] =	vst.idx.msk $0xffff, v59;
	(pc) =	sbr.rel @p0 .LBB1_4-.Ltmp4, $4  }
0x3b: {  	[tilespmem:v0+s22+$0x0 ss:$0x1] =	vst.idx.msk $0xffff, v60  }
0x3c: {  	[tilespmem:v0+s22+$0x10 ss:$0x1] =	vst.idx.msk $0xffff, v61  }
0x3d: {  	[tilespmem:v0+s22+$0x20 ss:$0x1] =	vst.idx.msk $0xffff, v62  }
0x3e: {  	s18 =	sadd.s32 $0x400, s18;
	s17 =	sadd.s32 $0x80, s17;
	[tilespmem:v0+s22+$0xFFFFFFC0 ss:$0x1] =	vst.idx.msk $0xffff, v63  }
0x3f: {  	s16 =	sadd.s32 $0x1, s16  }
0x40: {  	p0 =	sne.s32 s16, $0x4  }
.Ltmp5:
0x41: {  	_ = 	snop;
	(pc) =	sbr.rel @p0 .LBB1_3-.Ltmp5, $2  }
0x42: {  	_ =	sdelay $0x2  }
0x43: {  	s13 =	sadd.s32 $0x1000, s13;
	s14 =	sadd.s32 $0x1000, s14  }
.Ltmp6:
0x44: {  	(pc) =	sbr.rel .LBB1_9-.Ltmp6, $4  }
0x45: {  	_ = 	snop  }
0x46: {  	s12 =	sshll.u32 s12, $0x9  }
0x47: {  	s12 =	sadd.s32 s4, s12  }
0x48: {  	[hbm4b:s12+s8] =	stream.linear.scatter [tilespmem:s15], [sflag:$0x2], $0x4000, $0x38;
	[tilespmem:$0x10000] =	vst v63  }
.LBB1_10:
0x49: {  	_ =	sfence.sel $0x180000  }
0x4a: {  	s2 =	simm.s32 $0x1;
	[bflag:$0x0] =	sbarrier.arrive $0xFFFF  }
0x4b: {  	s31 =	simm.s32 $0x2;
	[sflag:s2] =	ssyncpa.u1 $0x1  }
0x4c: {  	[sflag:s31] =	ssyncpa.u1 $0x1  }
0x4d: {  	p0 =	sne.s32 s0, $0x0;
	_ =	strace $0x90000047  }
0x4e: {  	s0 =	sadd.s32 @!p0 $0x100000, s1;
	[bflag:$0x2] =	sbarrier.arrive $0xFFFF  }
0x4f: {  	[sflag:s0] =	ssyncadd.tile.s32 @!p0 $0x1;
	_ =	shalt  }
.Lfunc_end1:
_tile_overlayer_lowered:
.L_overlay_start_2:
0x50: {  	(tag) =	ssettag $0x2  }
0x51: {  	s0 =	rddreg [dreg:$0x0];
	s2 =	stileid.u32  }
0x52: {  	s1 =	rddreg [dreg:$0x1];
	p0 =	sne.s32 s2, $0x0  }
0x53: {  	s3 =	rddreg [dreg:$0x2];
	[bflag:$0x3] =	sbarrier.arrive $0xFFFF;
	s2 =	simm.s32 @!p0 $0x1C01  }
0x54: {  	[timem:s3], [sflag:s2] =	dma.local @!p0 [hbm:s0], s1  }
0x55: {  	s0 =	simm.s32 @!p0 $0x1  }
0x56: {  	_ =	swait.ge @!p0 [sflag:s0], s1  }
0x57: {  	s1 =	ssub.s32 @!p0 $0x0, s1;
	[sflag:s0] =	ssyncset.done @!p0 $0x0  }
0x58: {  	[sflag:s0] =	ssyncadd.s32 @!p0 s1  }
0x59: {  	[bflag:$0x3] =	sbarrier.arrive $0xFFFF  }
0x5a: {  	_ =	shalt  }

// kernel: sparse-core-data-format-call.cloned.1.call-start
scs
called_computation_lowered:
.L_overlay_start_0:
0x0: {  	s2 =	sld [smem:$0x3FD9]  }
0x1: {  	s3 =	sld [smem:$0x3FFE];
	_ =	sdelay $0x1  }
0x2: {  	s1 =	srdreg.scid  }
0x3: {  	s0 =	sand.u32 $0x1, s1  }
0x4: {  	s15 =	sshll.u32 s0, $0xA;
	s2 =	sadd.s32 s3, s2  }
0x5: {  	s2 =	sadd.s32 s2, s15  }
0x6: {  	[smem:$0x3FC5] =	sst s2  }
0x7: {  	_ = 	snop  }
0x8: {  	s2 =	sld [smem:$0x3FD0];
	_ =	sdelay $0x2  }
0x9: {  	s16 =	simm.s32 $0xA;
	s4 =	simm.s32 $0x10  }
0xa: {  	[smem:s4], [sflag:s16] =	dma.local [hbm:s2], $0x1  }
0xb: {  	_ =	swait.eq [sflag:s16], $0x1  }
0xc: {  	[sflag:s16] =	ssyncset.done $0x0  }
0xd: {  	[sflag:s16] =	ssyncadd.s32 $0xFFFFFFFF  }
0xe: {  	s17 =	sld [smem:$0x10];
	(tm) =	ssettm $0x1  }
0xf: {  	s18 =	sld [smem:$0x3FFB];
	_ =	sdelay $0x3  }
0x10: {  	_ =	strace s18  }
0x11: {  	s3 =	sld [smem:$0x3FFC];
	_ =	sdelay $0x3  }
0x12: {  	_ =	strace s3  }
0x13: {  	s3 =	sld [smem:$0x3FFD];
	_ =	sdelay $0x3  }
0x14: {  	_ =	strace s3  }
0x15: {  	_ =	strace $0x8FFFFFFF  }
0x16: {  	s19 =	sld [smem:$0x3FDB];
	_ =	sdelay $0x1  }
0x17: {  	s20 =	simm.s32 $_scs_section_size  }
0x18: {  	s5 =	simm.s32 $_size__tile_overlayer_lowered;
	s6 =	simm.s32 $_tile_overlayer_lowered  }
0x19: {  	s23 =	simm.s32 $0x1BFF;
	s22 =	sshll.u32 s6, $0x1;
	s3 =	sadd.s32 s20, s19  }
0x1a: {  	s7 =	simm.s32 $0x0;
	s21 =	sshll.u32 s5, $0x1;
	s5 =	sadd.s32 s22, s3  }
0x1b: {  	[timem:s7], [sflag:s23] =	dma.local [hbm:s5], s21  }
0x1c: {  	_ =	swait.ge [sflag:s23], s21  }
0x1d: {  	s4 =	ssub.s32 $0x0, s21;
	[sflag:s23] =	ssyncset.done $0x0  }
0x1e: {  	[sflag:s23] =	ssyncadd.s32 s4;
	_ =	sdelay $0x1  }
0x1f: {  	s24 =	simm.s32 $0x1B8B  }
0x20: {  	_ =	swait.ge [sflag:s24], $0x1  }
0x21: {  	[sflag:s24] =	ssyncset.done $0x0  }
0x22: {  	s26 =	simm.s32 $0x1B8E;
	s25 =	sld [smem:$0x3FFE];
	[sflag:s24] =	ssyncadd.s32 $0xFFFFFFFF  }
0x23: {  	s27 =	simm.s32 $execute0_lowered;
	[smem:$0x3FD2] =	sst s26  }
0x24: {  	s5 =	sshll.u32 s27, $0x1;
	_ =	strace $0x8000004C;
	[dreg:$0x1] =	wrdreg $0xFFFFFFFF  }
0x25: {  	s28 =	simm.s32 $_size_execute0_lowered;
	s3 =	sadd.s32 s3, s5;
	[dreg:$0x0] =	wrdreg $0x0  }
0x26: {  	s5 =	sshll.u32 s28, $0x1;
	[dreg:$0x2] =	wrdreg s3  }
0x27: {  	[dreg:$0x3] =	wrdreg s5  }
0x28: {  	[dreg:$0x4] =	wrdreg $0xC0  }
0x29: {  	_ =	task [dreg:s7], $0x5FFFF  }
0x2a: {  	[dreg:$0x1] =	wrdreg $0xFFFFFFFF  }
0x2b: {  	[dreg:$0x0] =	wrdreg $0x60  }
0x2c: {  	[dreg:$0x2] =	wrdreg s25  }
0x2d: {  	[dreg:$0x3] =	wrdreg s17  }
0x2e: {  	[dreg:$0x4] =	wrdreg $0x9  }
0x2f: {  	_ =	task.clear_ibuf [dreg:s7], $0x5FFFF;
	_ =	strace $0x9000004C  }
0x30: {  	s29 =	simm.s32 $0x9;
	_ =	strace $0x8000004E  }
0x31: {  	_ =	swait.ge [sflag:s29], $0x1  }
0x32: {  	[sflag:s29] =	ssyncadd.s32 $0xFFFFFFFF  }
0x33: {  	_ =	strace $0x9000004E  }
0x34: {  	_ =	sfence  }
0x35: {  	s30 =	sld [smem:$0x0];
	_ =	sdelay $0x2  }
0x36: {  	s31 =	sshll.u32 s1, $0xD;
	s1 =	sshrl.u32 s1, $0x2  }
0x37: {  	s3 =	sand.u32 $0x4000, s31;
	s1 =	sadd.s32 s1, s30  }
0x38: {  	s0 =	sor.u32 s3, s0;
	s1 =	sshll.u32 s1, $0x11  }
0x39: {  	s0 =	sor.u32 s1, s0  }
0x3a: {  	s0 =	sadd.s32 $0x8F2B, s0  }
0x3b: {  	[sflag:s0] =	ssyncadd.remote.s32 $0x1  }
0x3c: {  	_ =	sfence.sel $0xFFFF  }
0x3d: {  	[dreg:$0x0] =	wrdreg $0xFFFFFFFF;
	(pc) =	sbr.abs _section_cstart, $3  }
0x3e: {  	[dreg:$0x1] =	wrdreg $0xFFFFFFFF  }
0x3f: {  	_ =	task.clear_ibuf [dreg:s7], $0x2FFFF;
	_ =	strace $0x9FFFFFFF  }
0x40: {  	(tm) =	ssettm $0x7FFFFFFF  }
0x41: {  	_ =	shalt  }
tec
execute0_lowered:
.L_overlay_start_1:
0x0: {  	(tag) =	ssettag $0x1  }
0x1: {  	s0 =	srdreg.scid  }
0x2: {  	s1 =	sshll.u32 s0, $0x4  }
0x3: {  	s6 =	rddreg [dreg:$0x0];
	s0 =	stileid.u32;
	s1 =	sand.u32 $0x10, s1  }
0x4: {  	s3 =	rddreg [dreg:$0x1];
	s1 =	sor.u32 s0, s1  }
0x5: {  	s5 =	simm.s32 $0x1;
	s31 =	simm.s32 $0x2;
	s2 =	sshll.u32 s1, $0x7  }
0x6: {  	s14 =	simm.s32 $0x0;
	s8 =	simm.s32 $0x1000;
	s4 =	ssub.s32 $0x1000, s2  }
0x7: {  	s9 =	simm.s32 $0x0;
	s15 =	simm.s32 $0x0;
	s30 =	sand.u32 $0xF80, s4  }
0x8: {  	s16 =	simm.s32 $0x0;
	s10 =	simm.s32 $0x0;
	p0 =	sne.s32 s30, $0x0  }
.Ltmp0:
0x9: {  	s7 =	sshrl.u32 s4, $0xC;
	s5 =	simm.s32 @!p0 $0x0;
	(pc) =	sbr.rel .LBB1_1-.Ltmp0, $4  }
0xa: {  	s11 =	simm.s32 $0x0;
	s1 =	rddreg [dreg:$0x2];
	s5 =	sadd.s32 s5, s7  }
0xb: {  	_ =	strace $0x8000004D;
	s4 =	simm.s32 $0x1;
	s5 =	smul.u32 $0x134, s5  }
0xc: {  	s13 =	simm.s32 $0x0;
	s6 =	sadd.s32 $0x1200, s6;
	[sflag:s4] =	ssyncpa.u1 $0x0  }
0xd: {  	s12 =	smov.u32 s2;
	[sflag:s31] =	ssyncpa.u1 $0x0;
	s7 =	sor.u32 $0x1, s5  }
.LBB1_4:
0xe: {  	_ =	sdelay $0x3  }
0xf: {  	[tilespmem:v0+s19+$0xFFFFFFD0 ss:$0x1] =	vst.idx.msk $0xffff, v6  }
0x10: {  	v56 =	vld.idx.msk [tilespmem:v1+s18+$0x0 ss:$0x1], $0xffff;
	[tilespmem:v0+s19+$0xFFFFFFE0 ss:$0x1] =	vst.idx.msk $0xffff, v4  }
0x11: {  	v57 =	vld.idx.msk [tilespmem:v1+s18+$0xFFFFFF90 ss:$0x1], $0xffff;
	[tilespmem:v0+s19+$0xFFFFFFF0 ss:$0x1] =	vst.idx.msk $0xffff, v2  }
0x12: {  	v58 =	vld.idx.msk [tilespmem:v1+s18+$0xFFFFFFA0 ss:$0x1], $0xffff;
	[tilespmem:v0+s19+$0x0 ss:$0x1] =	vst.idx.msk $0xffff, v3  }
0x13: {  	v59 =	vld.idx.msk [tilespmem:v1+s18+$0xFFFFFFB0 ss:$0x1], $0xffff;
	[tilespmem:v0+s19+$0x10 ss:$0x1] =	vst.idx.msk $0xffff, v5  }
0x14: {  	v60 =	vld.idx.msk [tilespmem:v1+s18+$0xFFFFFFC0 ss:$0x1], $0xffff;
	[tilespmem:v0+s19+$0x20 ss:$0x1] =	vst.idx.msk $0xffff, v7  }
0x15: {  	v61 =	vld.idx.msk [tilespmem:v1+s18+$0xFFFFFFD0 ss:$0x1], $0xffff;
	s27 =	sshll.u32 s16, $0x9;
	[tilespmem:v0+s18+$0x30 ss:$0x1] =	vst.idx.msk $0xffff, v56  }
0x16: {  	s20 =	sshll.u32 s14, $0x3;
	v62 =	vld.idx.msk [tilespmem:v1+s18+$0xFFFFFFE0 ss:$0x1], $0xffff;
	s28 =	sshll.u32 s16, $0x7;
	s30 =	sand.u32 $0x78, s14;
	[tilespmem:v0+s18+$0xFFFFFFC0 ss:$0x1] =	vst.idx.msk $0xffff, v57  }
0x17: {  	v63 =	vld.idx.msk [tilespmem:v1+s18+$0xFFFFFFF0 ss:$0x1], $0xffff;
	s15 =	sshll.u32 s15, $0x12;
	s19 =	sand.u32 $0x1FF000, s27;
	s20 =	sand.u32 $0x1FFC00, s20;
	[tilespmem:v0+s18+$0xFFFFFFD0 ss:$0x1] =	vst.idx.msk $0xffff, v58  }
0x18: {  	s29 =	sand.u32 $0x200, s28;
	s16 =	sand.u32 $0x180, s28;
	s19 =	sadd.s32 s19, s20;
	[tilespmem:v0+s18+$0xFFFFFFE0 ss:$0x1] =	vst.idx.msk $0xffff, v59  }
0x19: {  	s31 =	sand.u32 $0x7, s14;
	s16 =	sor.u32 s16, s30;
	s19 =	sor.u32 s29, s19;
	[tilespmem:v0+s18+$0xFFFFFFF0 ss:$0x1] =	vst.idx.msk $0xffff, v60  }
0x1a: {  	s15 =	sadd.s32 s3, s15;
	s16 =	sshrl.u32 s16, $0x3;
	s19 =	sshrl.u32 s19, $0x3;
	[tilespmem:v0+s18+$0x0 ss:$0x1] =	vst.idx.msk $0xffff, v61  }
0x1b: {  	s14 =	sshll.u32 s31, $0x12;
	s15 =	sadd.s32 s16, s15;
	[tilespmem:v0+s18+$0x10 ss:$0x1] =	vst.idx.msk $0xffff, v62;
	s19 =	sand.u32 $0x3FFC0, s19  }
0x1c: {  	s14 =	sor.u32 $0x400, s14;
	[tilespmem:v0+s18+$0x20 ss:$0x1] =	vst.idx.msk $0xffff, v63;
	s15 =	sadd.s32 s19, s15  }
0x1d: {  	[hbm4b:s15+s14] =	stream.strided.scatter [tilespmem:s17], [sflag:$0x2], $0x4000, s8, s14, $0x38;
	[tilespmem:$0x10000] =	vst v63  }
.LBB1_5:
0x1e: {  	s17 =	sadd.s32 $0x80, s10  }
0x1f: {  	s14 =	simm.s32 $0x1;
	p1 =	sgt.s32 s17, $0x1FF  }
0x20: {  	s14 =	simm.s32 @!p1 $0x0  }
0x21: {  	s18 =	sadd.s32 s14, s11  }
0x22: {  	s20 =	smov.u32 s12;
	s14 =	sadd.s32 $0x1000, s12;
	p2 =	sgt.s32 s18, $0x4C  }
0x23: {  	s20 =	smov.u32 @p2 s14  }
0x24: {  	p0 =	slt.u32 s13, $0x2;
	s17 =	simm.s32 @p1 $0x0;
	p1 =	sgt.s32 s20, $0xFFF  }
0x25: {  	s19 =	simm.s32 @!p0 $0x2;
	s20 =	smov.u32 @p1 s2;
	p1 =	sne.s32 s13, s7  }
.Ltmp1:
0x26: {  	_ =	swait.ge @!p0 [sflag:s19], $0x4000;
	(pc) =	sbr.rel @!p1 .LBB1_6-.Ltmp1, $4  }
0x27: {  	s15 =	smov.u32 s11;
	[sflag:s19] =	ssyncset.done @!p0 $0x0  }
0x28: {  	s16 =	smov.u32 s12;
	s9 =	sadd.s32 $0x4000, s9;
	[sflag:s19] =	ssyncadd.s32 @!p0 $0xFFFFC000  }
0x29: {  	s18 =	simm.s32 @p2 $0x0;
	s14 =	smov.u32 s10;
	s10 =	smov.u32 s17  }
0x2a: {  	s11 =	smov.u32 s18;
	s13 =	sadd.s32 $0x1, s13;
	s12 =	smov.u32 s20  }
.LBB1_1:
0x2b: {  	p0 =	sge.u32 s13, s5  }
0x2c: {  	s17 =	sshll.u32 @!p0 s11, $0x9;
	s18 =	sshll.u32 @!p0 s10, $0x3  }
0x2d: {  	s19 =	sshll.u32 @!p0 s11, $0x7;
	s17 =	sand.u32 @!p0 $0xFFFFF000, s17;
	s18 =	sand.u32 @!p0 $0xFFFFFC00, s18  }
0x2e: {  	s17 =	sadd.s32 @!p0 s17, s18;
	s18 =	sand.u32 @!p0 $0x200, s19  }
0x2f: {  	s17 =	sor.u32 @!p0 s18, s17  }
0x30: {  	s17 =	sshrl.u32 @!p0 s17, $0x9  }
0x31: {  	s31 =	sadd.s32 $0xFFFFFFFF, s13;
	s18 =	smulhi.u32 @!p0 $0x3333334, s17  }
0x32: {  	s20 =	sxor.u32 @!p0 $0xFFFFFFFF, s13;
	s21 =	sand.u32 @!p0 $0x78, s10;
	s22 =	smul.u32 @!p0 $0x1400, s12  }
0x33: {  	s20 =	sshll.u32 @!p0 s20, $0xE;
	s19 =	sand.u32 @!p0 $0x180, s19;
	s18 =	smul.u32 @!p0 $0x50, s18  }
0x34: {  	s20 =	sand.u32 @!p0 $0x4000, s20;
	s19 =	sor.u32 @!p0 s21, s19;
	s21 =	sand.u32 @!p0 $0x7, s10  }
0x35: {  	s17 =	ssub.s32 @!p0 s17, s18;
	s18 =	sshrl.u32 @!p0 s19, $0x3;
	s19 =	sadd.s32 @!p0 s6, s22  }
0x36: {  	s17 =	sshll.u32 @!p0 s17, $0x6;
	s18 =	sadd.s32 @!p0 s18, s19;
	s19 =	sshll.u32 @!p0 s21, $0x12  }
0x37: {  	s17 =	sadd.s32 @!p0 s17, s18;
	s18 =	sor.u32 @!p0 $0x80, s19;
	s19 =	simm.s32 @!p0 $0xA000  }
0x38: {  	[tilespmem:s20], [sflag:$0x1] =	stream.strided.gather @!p0 [hbm4b:s17+s18], $0x4000, s19, s18, $0x38;
	[tilespmem:$0x10000] =	vst v63  }
0x39: {  	p0 =	sge.u32 s31, s5  }
.Ltmp2:
0x3a: {  	_ = 	snop;
	(pc) =	sbr.rel @p0 .LBB1_5-.Ltmp2, $1  }
0x3b: {  	_ =	sdelay $0x3  }
0x3c: {  	s17 =	sand.u32 $0x4000, s9  }
0x3d: {  	s18 =	sor.u32 $0x70, s17  }
0x3e: {  	v1 =	vmov s18;
	_ =	sdelay $0x1  }
0x3f: {  	_ =	swait.ge [sflag:s4], $0x4000  }
0x40: {  	[sflag:s4] =	ssyncset.done $0x0  }
0x41: {  	s19 =	simm.s32 $0x0;
	[sflag:s4] =	ssyncadd.s32 $0xFFFFC000  }
0x42: {  	s17 =	sor.u32 $0x8040, s17;
	v7 =	vld.idx.msk [tilespmem:v1+s19+$0x0 ss:$0x1], $0xffff  }
0x43: {  	v0 =	vmov s17;
	v8 =	vld.idx.msk [tilespmem:v1+s19+$0xFFFFFF90 ss:$0x1], $0xffff  }
0x44: {  	v6 =	vld.idx.msk [tilespmem:v1+s19+$0xFFFFFFA0 ss:$0x1], $0xffff  }
0x45: {  	v4 =	vld.idx.msk [tilespmem:v1+s19+$0xFFFFFFB0 ss:$0x1], $0xffff  }
0x46: {  	v2 =	vld.idx.msk [tilespmem:v1+s19+$0xFFFFFFC0 ss:$0x1], $0xffff  }
0x47: {  	s31 =	sshll.u32 s13, $0xE;
	v3 =	vld.idx.msk [tilespmem:v1+s19+$0xFFFFFFD0 ss:$0x1], $0xffff  }
0x48: {  	s17 =	sand.u32 $0x4000, s31;
	v5 =	vld.idx.msk [tilespmem:v1+s19+$0xFFFFFFE0 ss:$0x1], $0xffff;
	[tilespmem:v0+s19+$0x30 ss:$0x1] =	vst.idx.msk $0xffff, v7  }
0x49: {  	s20 =	simm.s32 $0x400;
	s18 =	simm.s32 $0x80;
	s17 =	sor.u32 $0x8000, s17;
	[tilespmem:v0+s19+$0xFFFFFFC0 ss:$0x1] =	vst.idx.msk $0xffff, v8;
	v7 =	vld.idx.msk [tilespmem:v1+s19+$0xFFFFFFF0 ss:$0x1], $0xffff  }
.LBB1_3:
0x4a: {  	p0 =	sne.s32 s20, $0xFE00;
	v8 =	vld.idx.msk [tilespmem:v1+s18+$0x0 ss:$0x1], $0xffff;
	[tilespmem:v0+s19+$0xFFFFFFD0 ss:$0x1] =	vst.idx.msk $0xffff, v6  }
0x4b: {  	v9 =	vld.idx.msk [tilespmem:v1+s18+$0xFFFFFF90 ss:$0x1], $0xffff;
	[tilespmem:v0+s19+$0xFFFFFFE0 ss:$0x1] =	vst.idx.msk $0xffff, v4  }
0x4c: {  	v6 =	vld.idx.msk [tilespmem:v1+s18+$0xFFFFFFA0 ss:$0x1], $0xffff;
	[tilespmem:v0+s19+$0xFFFFFFF0 ss:$0x1] =	vst.idx.msk $0xffff, v2  }
.Ltmp3:
0x4d: {  	v4 =	vld.idx.msk [tilespmem:v1+s18+$0xFFFFFFB0 ss:$0x1], $0xffff;
	[tilespmem:v0+s19+$0x0 ss:$0x1] =	vst.idx.msk $0xffff, v3;
	(pc) =	sbr.rel @p0 .LBB1_3-.Ltmp3, $4  }
0x4e: {  	v2 =	vld.idx.msk [tilespmem:v1+s18+$0xFFFFFFC0 ss:$0x1], $0xffff;
	[tilespmem:v0+s19+$0x10 ss:$0x1] =	vst.idx.msk $0xffff, v5  }
0x4f: {  	v3 =	vld.idx.msk [tilespmem:v1+s18+$0xFFFFFFD0 ss:$0x1], $0xffff;
	[tilespmem:v0+s19+$0x20 ss:$0x1] =	vst.idx.msk $0xffff, v7;
	s19 =	smov.u32 s18  }
0x50: {  	v5 =	vld.idx.msk [tilespmem:v1+s19+$0xFFFFFFE0 ss:$0x1], $0xffff;
	[tilespmem:v0+s19+$0x30 ss:$0x1] =	vst.idx.msk $0xffff, v8  }
0x51: {  	s18 =	sshra.s32 s20, $0x2;
	s20 =	sadd.s32 $0x200, s20;
	[tilespmem:v0+s19+$0xFFFFFFC0 ss:$0x1] =	vst.idx.msk $0xffff, v9;
	v7 =	vld.idx.msk [tilespmem:v1+s19+$0xFFFFFFF0 ss:$0x1], $0xffff  }
.Ltmp4:
0x52: {  	_ = 	snop;
	(pc) =	sbr.rel .LBB1_4-.Ltmp4, $1  }
0x53: {  	_ =	sdelay $0x3  }
.LBB1_6:
0x54: {  	_ =	sfence.sel $0x180000  }
0x55: {  	s2 =	simm.s32 $0x1;
	[bflag:$0x0] =	sbarrier.arrive $0xFFFF  }
0x56: {  	s31 =	simm.s32 $0x2;
	[sflag:s2] =	ssyncpa.u1 $0x1  }
0x57: {  	[sflag:s31] =	ssyncpa.u1 $0x1  }
0x58: {  	p0 =	sne.s32 s0, $0x0;
	_ =	strace $0x9000004D  }
0x59: {  	s0 =	sadd.s32 @!p0 $0x100000, s1;
	[bflag:$0x2] =	sbarrier.arrive $0xFFFF  }
0x5a: {  	[sflag:s0] =	ssyncadd.tile.s32 @!p0 $0x1;
	_ =	shalt  }
.Lfunc_end1:
_tile_overlayer_lowered:
.L_overlay_start_2:
0x5b: {  	(tag) =	ssettag $0x2  }
0x5c: {  	s0 =	rddreg [dreg:$0x0];
	s2 =	stileid.u32  }
0x5d: {  	s1 =	rddreg [dreg:$0x1];
	p0 =	sne.s32 s2, $0x0  }
0x5e: {  	s3 =	rddreg [dreg:$0x2];
	[bflag:$0x3] =	sbarrier.arrive $0xFFFF;
	s2 =	simm.s32 @!p0 $0x1C01  }
0x5f: {  	[timem:s3], [sflag:s2] =	dma.local @!p0 [hbm:s0], s1  }
0x60: {  	s0 =	simm.s32 @!p0 $0x1  }
0x61: {  	_ =	swait.ge @!p0 [sflag:s0], s1  }
0x62: {  	s1 =	ssub.s32 @!p0 $0x0, s1;
	[sflag:s0] =	ssyncset.done @!p0 $0x0  }
0x63: {  	[sflag:s0] =	ssyncadd.s32 @!p0 s1  }
0x64: {  	[bflag:$0x3] =	sbarrier.arrive $0xFFFF  }
0x65: {  	_ =	shalt  }

</sc_bundles>
